<compile_context>
chip_gen: v7x
topology: tpu7x:2x2x1
jax: 0.10.2.dev20260603
libtpu: 0.0.44.dev20260713+nightly
codegen_flags: <defaults>
</compile_context>

<pallas_src>
import functools

import jax
import jax.numpy as jnp
from jax import lax
from jax.experimental import pallas as pl
from jax.experimental.pallas import tpu as pltpu
from jax.experimental.pallas import tpu_sc as plsc

N = 8192
NC = 2
NS = 16
NW = NC * NS
CHUNK = N // NW
QB = 8
L = 16

_mesh = plsc.VectorSubcoreMesh(core_axis_name="c", subcore_axis_name="s")
_params = pltpu.CompilerParams(needs_layout_passes=False)


@functools.partial(
    pl.kernel,
    mesh=_mesh,
    compiler_params=_params,
    out_type=(jax.ShapeDtypeStruct((NW, L), jnp.float32),
              jax.ShapeDtypeStruct((NW, N), jnp.float32)),
    scratch_types=[
        pltpu.VMEM((N,), jnp.float32),
        pltpu.VMEM((N,), jnp.float32),
        pltpu.VMEM((N,), jnp.float32),
        pltpu.VMEM((N,), jnp.float32),
        pltpu.VMEM((N,), jnp.float32),
        pltpu.VMEM((N,), jnp.float32),
        pltpu.VMEM((N,), jnp.float32),
        pltpu.VMEM((N,), jnp.float32),
        pltpu.VMEM((N,), jnp.float32),
        pltpu.VMEM((N,), jnp.float32),
        pltpu.VMEM((N,), jnp.float32),
        pltpu.VMEM((L,), jnp.float32),
    ],
)
def _chamfer_main(cx_hbm, cy_hbm, tx_hbm, ty_hbm,
                  cxb_hbm, cyb_hbm, txb_hbm, tyb_hbm,
                  rowsum_hbm, colpart_hbm,
                  cx_v, cy_v, tx_v, ty_v,
                  cxb_v, cyb_v, txb_v, tyb_v, cn_v, tn_v, col_v, row_v):
    wid = lax.axis_index("s") * NC + lax.axis_index("c")
    pltpu.sync_copy(cx_hbm, cx_v)
    pltpu.sync_copy(cy_hbm, cy_v)
    pltpu.sync_copy(tx_hbm, tx_v)
    pltpu.sync_copy(ty_hbm, ty_v)
    pltpu.sync_copy(cxb_hbm, cxb_v)
    pltpu.sync_copy(cyb_hbm, cyb_v)
    pltpu.sync_copy(txb_hbm, txb_v)
    pltpu.sync_copy(tyb_hbm, tyb_v)

    inf = jnp.full((L,), jnp.inf, jnp.float32)

    def nstep(j, carry):
        sl = pl.ds(j * L, L)
        cn_v[sl] = cx_v[sl] * cx_v[sl] + cy_v[sl] * cy_v[sl]
        tn_v[sl] = tx_v[sl] * tx_v[sl] + ty_v[sl] * ty_v[sl]
        col_v[sl] = inf
        return carry

    lax.fori_loop(0, N // L, nstep, jnp.int32(0))

    base = wid * CHUNK

    def qstep(qb, acc):
        q0 = base + qb * L
        qxv = cxb_v[pl.ds(q0, L)]
        qyv = cyb_v[pl.ds(q0, L)]
        qnv = cn_v[pl.ds(q0, L)]
        for h in range(L // QB):
            qx2 = [jnp.full((L,), 2.0 * qxv[h * QB + k], jnp.float32)
                   for k in range(QB)]
            qy2 = [jnp.full((L,), 2.0 * qyv[h * QB + k], jnp.float32)
                   for k in range(QB)]
            qn = [jnp.full((L,), qnv[h * QB + k], jnp.float32)
                  for k in range(QB)]

            def jstep(j, mins):
                sl = pl.ds(j * L, L)
                rx = txb_v[sl]
                ry = tyb_v[sl]
                rn = tn_v[sl]
                cm = col_v[sl]
                out = []
                for k in range(QB):
                    b = qx2[k] * rx + qy2[k] * ry
                    out.append(jnp.minimum(mins[k], rn - b))
                    cm = jnp.minimum(cm, qn[k] - b)
                col_v[sl] = cm
                return tuple(out)

            mins = lax.fori_loop(0, N // L, jstep, (inf,) * QB, unroll=2)
            for k in range(QB):
                acc = acc + jnp.maximum(qnv[h * QB + k] + jnp.min(mins[k]),
                                        0.0)
        return acc

    s_c = lax.fori_loop(0, CHUNK // L, qstep, jnp.float32(0.0))

    lane = lax.iota(jnp.int32, L)
    row = jnp.where(lane == 0, jnp.full((L,), s_c, jnp.float32),
                    jnp.zeros((L,), jnp.float32))
    row_v[...] = row
    pltpu.sync_copy(row_v, rowsum_hbm.at[wid])
    pltpu.sync_copy(col_v, colpart_hbm.at[wid])


@functools.partial(
    pl.kernel,
    mesh=_mesh,
    compiler_params=_params,
    out_type=jax.ShapeDtypeStruct((NW, L), jnp.float32),
    scratch_types=[
        pltpu.VMEM((NW, CHUNK), jnp.float32),
        pltpu.VMEM((CHUNK,), jnp.float32),
        pltpu.VMEM((CHUNK,), jnp.float32),
        pltpu.VMEM((L,), jnp.float32),
    ],
)
def _chamfer_combine(tx_hbm, ty_hbm, colpart_hbm, out_hbm,
                     parts_v, tx_v, ty_v, row_v):
    wid = lax.axis_index("s") * NC + lax.axis_index("c")
    base = wid * CHUNK
    pltpu.sync_copy(colpart_hbm.at[:, pl.ds(base, CHUNK)], parts_v)
    pltpu.sync_copy(tx_hbm.at[pl.ds(base, CHUNK)], tx_v)
    pltpu.sync_copy(ty_hbm.at[pl.ds(base, CHUNK)], ty_v)

    def jstep(j, acc):
        sl = pl.ds(j * L, L)
        m = jnp.full((L,), jnp.inf, jnp.float32)
        for w in range(NW):
            m = jnp.minimum(m, parts_v[w, sl])
        tn = ty_v[sl] * ty_v[sl]
        tn = tx_v[sl] * tx_v[sl] + tn
        return acc + jnp.maximum(tn + m, 0.0)

    s = lax.fori_loop(0, CHUNK // L, jstep, jnp.zeros((L,), jnp.float32))
    s_t = jnp.sum(s)

    lane = lax.iota(jnp.int32, L)
    row = jnp.where(lane == 0, jnp.full((L,), s_t, jnp.float32),
                    jnp.zeros((L,), jnp.float32))
    row_v[...] = row
    pltpu.sync_copy(row_v, out_hbm.at[wid])


def _bf16_round(x):
    u = jax.lax.bitcast_convert_type(x, jnp.uint32)
    r = u + jnp.uint32(0x7FFF) + ((u >> 16) & jnp.uint32(1))
    r = r & jnp.uint32(0xFFFF0000)
    return jax.lax.bitcast_convert_type(r, jnp.float32)


def kernel(Xc, Xt):
    cx = Xc[:, 0]
    cy = Xc[:, 1]
    tx = Xt[:, 0]
    ty = Xt[:, 1]
    cxb = _bf16_round(cx)
    cyb = _bf16_round(cy)
    txb = _bf16_round(tx)
    tyb = _bf16_round(ty)
    rowsums, colparts = _chamfer_main(cx, cy, tx, ty, cxb, cyb, txb, tyb)
    colsums = _chamfer_combine(tx, ty, colparts)
    return (jnp.sum(rowsums[:, 0]) + jnp.sum(colsums[:, 0])) / N

# --- scband reference (transcript-rebuilt; emitter-appended) ---
"""Pipeline reference for scband-chamfer-loss-24309514895953 (READ-ONLY COPY).

The authoritative reference and input builder live on the scoring server;
editing this copy changes nothing except your own understanding.
"""

import jax, jax.numpy as jnp
import numpy as np


def setup_inputs(seed: int = 0) -> dict:
    key = jax.random.key(seed)
    k1, k2 = jax.random.split(key)
    Xc = jax.random.normal(k1, (8192, 2), dtype=jnp.float32)
    Xt = jax.random.normal(k2, (8192, 2), dtype=jnp.float32)
    return {"Xc": Xc, "Xt": Xt}


def reference(Xc, Xt):
    # torch.cdist(Xc, Xt, p=2) ** 2  == squared Euclidean pairwise distances
    # computed via the expanded quadratic form (as cdist does internally),
    # with sqrt then square kept for numerical faithfulness.
    sq = (
        jnp.sum(Xc * Xc, axis=1)[:, None]
        + jnp.sum(Xt * Xt, axis=1)[None, :]
        - 2.0 * (Xc @ Xt.T)
    )
    sq = jnp.maximum(sq, 0.0)
    dists = jnp.sqrt(sq) ** 2
    min_dist_Xc = jnp.min(dists, axis=1)
    min_dist_Xt = jnp.min(dists, axis=0)
    loss = jnp.mean(min_dist_Xc) + jnp.mean(min_dist_Xt)
    return loss

if __name__ == "__main__":
    import jax
    _d = setup_inputs()
    print(jax.jit(kernel)(*tuple(_d.values())))

</pallas_src>

<mosaic_0001>
#map = affine_map<(d0, d1) -> (0)>
#map1 = affine_map<(d0, d1) -> (0, 0)>
module attributes {stable_mosaic.version = 14 : i64} {
  func.func @_chamfer_main(%arg0: i32, %arg1: i32, %arg2: memref<8192xf32, #tpu.memory_space<hbm>>, %arg3: memref<8192xf32, #tpu.memory_space<hbm>>, %arg4: memref<8192xf32, #tpu.memory_space<hbm>>, %arg5: memref<8192xf32, #tpu.memory_space<hbm>>, %arg6: memref<8192xf32, #tpu.memory_space<hbm>>, %arg7: memref<8192xf32, #tpu.memory_space<hbm>>, %arg8: memref<8192xf32, #tpu.memory_space<hbm>>, %arg9: memref<8192xf32, #tpu.memory_space<hbm>>, %arg10: memref<32x16xf32, #tpu.memory_space<hbm>>, %arg11: memref<32x8192xf32, #tpu.memory_space<hbm>>, %arg12: memref<8192xf32, #tpu.memory_space<vmem>>, %arg13: memref<8192xf32, #tpu.memory_space<vmem>>, %arg14: memref<8192xf32, #tpu.memory_space<vmem>>, %arg15: memref<8192xf32, #tpu.memory_space<vmem>>, %arg16: memref<8192xf32, #tpu.memory_space<vmem>>, %arg17: memref<8192xf32, #tpu.memory_space<vmem>>, %arg18: memref<8192xf32, #tpu.memory_space<vmem>>, %arg19: memref<8192xf32, #tpu.memory_space<vmem>>, %arg20: memref<8192xf32, #tpu.memory_space<vmem>>, %arg21: memref<8192xf32, #tpu.memory_space<vmem>>, %arg22: memref<8192xf32, #tpu.memory_space<vmem>>, %arg23: memref<16xf32, #tpu.memory_space<vmem>>) attributes {dimension_semantics = [#tpu.dimension_semantics<core_parallel>, #tpu.dimension_semantics<subcore_parallel>], iteration_bounds = array<i64: 2, 16>, scalar_prefetch = 0 : i64, scratch_operands = 12 : i64, tpu.core_type = #tpu.core_type<sc_vector_subcore>, window_params = [{transform_indices = #map}, {transform_indices = #map}, {transform_indices = #map}, {transform_indices = #map}, {transform_indices = #map}, {transform_indices = #map}, {transform_indices = #map}, {transform_indices = #map}, {transform_indices = #map1}, {transform_indices = #map1}]} {
    %mul3A = arith.constant 2 : i32
    %mul3A_0 = arith.muli %arg1, %mul3A : i32
    %add3A = arith.addi %mul3A_0, %arg0 : i32
    "tpu.region"() ({
      %run_scoped3A = tpu.sem_alloc : memref<!tpu.dma_semaphore, #tpu.memory_space<semaphore_mem>>
      tpu.enqueue_dma source(%arg2 : memref<8192xf32, #tpu.memory_space<hbm>>) target(%arg12 : memref<8192xf32, #tpu.memory_space<vmem>>) target_semaphore(%run_scoped3A : memref<!tpu.dma_semaphore, #tpu.memory_space<semaphore_mem>>)
      tpu.wait_dma2 semaphore(%run_scoped3A : memref<!tpu.dma_semaphore, #tpu.memory_space<semaphore_mem>>) src(%arg2 : memref<8192xf32, #tpu.memory_space<hbm>>) dst(%arg12 : memref<8192xf32, #tpu.memory_space<vmem>>)
      tpu.yield
    }) : () -> ()
    "tpu.region"() ({
      %run_scoped3A = tpu.sem_alloc : memref<!tpu.dma_semaphore, #tpu.memory_space<semaphore_mem>>
      tpu.enqueue_dma source(%arg3 : memref<8192xf32, #tpu.memory_space<hbm>>) target(%arg13 : memref<8192xf32, #tpu.memory_space<vmem>>) target_semaphore(%run_scoped3A : memref<!tpu.dma_semaphore, #tpu.memory_space<semaphore_mem>>)
      tpu.wait_dma2 semaphore(%run_scoped3A : memref<!tpu.dma_semaphore, #tpu.memory_space<semaphore_mem>>) src(%arg3 : memref<8192xf32, #tpu.memory_space<hbm>>) dst(%arg13 : memref<8192xf32, #tpu.memory_space<vmem>>)
      tpu.yield
    }) : () -> ()
    "tpu.region"() ({
      %run_scoped3A = tpu.sem_alloc : memref<!tpu.dma_semaphore, #tpu.memory_space<semaphore_mem>>
      tpu.enqueue_dma source(%arg4 : memref<8192xf32, #tpu.memory_space<hbm>>) target(%arg14 : memref<8192xf32, #tpu.memory_space<vmem>>) target_semaphore(%run_scoped3A : memref<!tpu.dma_semaphore, #tpu.memory_space<semaphore_mem>>)
      tpu.wait_dma2 semaphore(%run_scoped3A : memref<!tpu.dma_semaphore, #tpu.memory_space<semaphore_mem>>) src(%arg4 : memref<8192xf32, #tpu.memory_space<hbm>>) dst(%arg14 : memref<8192xf32, #tpu.memory_space<vmem>>)
      tpu.yield
    }) : () -> ()
    "tpu.region"() ({
      %run_scoped3A = tpu.sem_alloc : memref<!tpu.dma_semaphore, #tpu.memory_space<semaphore_mem>>
      tpu.enqueue_dma source(%arg5 : memref<8192xf32, #tpu.memory_space<hbm>>) target(%arg15 : memref<8192xf32, #tpu.memory_space<vmem>>) target_semaphore(%run_scoped3A : memref<!tpu.dma_semaphore, #tpu.memory_space<semaphore_mem>>)
      tpu.wait_dma2 semaphore(%run_scoped3A : memref<!tpu.dma_semaphore, #tpu.memory_space<semaphore_mem>>) src(%arg5 : memref<8192xf32, #tpu.memory_space<hbm>>) dst(%arg15 : memref<8192xf32, #tpu.memory_space<vmem>>)
      tpu.yield
    }) : () -> ()
    "tpu.region"() ({
      %run_scoped3A = tpu.sem_alloc : memref<!tpu.dma_semaphore, #tpu.memory_space<semaphore_mem>>
      tpu.enqueue_dma source(%arg6 : memref<8192xf32, #tpu.memory_space<hbm>>) target(%arg16 : memref<8192xf32, #tpu.memory_space<vmem>>) target_semaphore(%run_scoped3A : memref<!tpu.dma_semaphore, #tpu.memory_space<semaphore_mem>>)
      tpu.wait_dma2 semaphore(%run_scoped3A : memref<!tpu.dma_semaphore, #tpu.memory_space<semaphore_mem>>) src(%arg6 : memref<8192xf32, #tpu.memory_space<hbm>>) dst(%arg16 : memref<8192xf32, #tpu.memory_space<vmem>>)
      tpu.yield
    }) : () -> ()
    "tpu.region"() ({
      %run_scoped3A = tpu.sem_alloc : memref<!tpu.dma_semaphore, #tpu.memory_space<semaphore_mem>>
      tpu.enqueue_dma source(%arg7 : memref<8192xf32, #tpu.memory_space<hbm>>) target(%arg17 : memref<8192xf32, #tpu.memory_space<vmem>>) target_semaphore(%run_scoped3A : memref<!tpu.dma_semaphore, #tpu.memory_space<semaphore_mem>>)
      tpu.wait_dma2 semaphore(%run_scoped3A : memref<!tpu.dma_semaphore, #tpu.memory_space<semaphore_mem>>) src(%arg7 : memref<8192xf32, #tpu.memory_space<hbm>>) dst(%arg17 : memref<8192xf32, #tpu.memory_space<vmem>>)
      tpu.yield
    }) : () -> ()
    "tpu.region"() ({
      %run_scoped3A = tpu.sem_alloc : memref<!tpu.dma_semaphore, #tpu.memory_space<semaphore_mem>>
      tpu.enqueue_dma source(%arg8 : memref<8192xf32, #tpu.memory_space<hbm>>) target(%arg18 : memref<8192xf32, #tpu.memory_space<vmem>>) target_semaphore(%run_scoped3A : memref<!tpu.dma_semaphore, #tpu.memory_space<semaphore_mem>>)
      tpu.wait_dma2 semaphore(%run_scoped3A : memref<!tpu.dma_semaphore, #tpu.memory_space<semaphore_mem>>) src(%arg8 : memref<8192xf32, #tpu.memory_space<hbm>>) dst(%arg18 : memref<8192xf32, #tpu.memory_space<vmem>>)
      tpu.yield
    }) : () -> ()
    "tpu.region"() ({
      %run_scoped3A = tpu.sem_alloc : memref<!tpu.dma_semaphore, #tpu.memory_space<semaphore_mem>>
      tpu.enqueue_dma source(%arg9 : memref<8192xf32, #tpu.memory_space<hbm>>) target(%arg19 : memref<8192xf32, #tpu.memory_space<vmem>>) target_semaphore(%run_scoped3A : memref<!tpu.dma_semaphore, #tpu.memory_space<semaphore_mem>>)
      tpu.wait_dma2 semaphore(%run_scoped3A : memref<!tpu.dma_semaphore, #tpu.memory_space<semaphore_mem>>) src(%arg9 : memref<8192xf32, #tpu.memory_space<hbm>>) dst(%arg19 : memref<8192xf32, #tpu.memory_space<vmem>>)
      tpu.yield
    }) : () -> ()
    %broadcast_in_dim3A = arith.constant 0x7F800000 : f32
    %broadcast_in_dim3A_1 = vector.broadcast %broadcast_in_dim3A : f32 to vector<16xf32>
    %scan3A = arith.constant 0 : i32
    %scan3A_2 = arith.constant 0 : i32
    %scan3A_3 = arith.constant 512 : i32
    %scan3A_4 = arith.addi %scan3A_2, %scan3A_3 : i32
    %scan3A_5 = arith.constant 1 : i32
    scf.for %scan3A_22 = %scan3A_2 to %scan3A_4 step %scan3A_5  : i32 {
      %mul3A_23 = arith.constant 16 : i32
      %mul3A_24 = arith.muli %scan3A_22, %mul3A_23 : i32
      %get3A = arith.index_cast %mul3A_24 : i32 to index
      %get3A_25 = tpu.vector_load %arg12[%get3A] {strides = array<i32>} : memref<8192xf32, #tpu.memory_space<vmem>>, vector<16xf32>,
      %get3A_26 = arith.index_cast %mul3A_24 : i32 to index
      %get3A_27 = tpu.vector_load %arg12[%get3A_26] {strides = array<i32>} : memref<8192xf32, #tpu.memory_space<vmem>>, vector<16xf32>,
      %mul3A_28 = arith.mulf %get3A_25, %get3A_27 : vector<16xf32>
      %get3A_29 = arith.index_cast %mul3A_24 : i32 to index
      %get3A_30 = tpu.vector_load %arg13[%get3A_29] {strides = array<i32>} : memref<8192xf32, #tpu.memory_space<vmem>>, vector<16xf32>,
      %get3A_31 = arith.index_cast %mul3A_24 : i32 to index
      %get3A_32 = tpu.vector_load %arg13[%get3A_31] {strides = array<i32>} : memref<8192xf32, #tpu.memory_space<vmem>>, vector<16xf32>,
      %mul3A_33 = arith.mulf %get3A_30, %get3A_32 : vector<16xf32>
      %add3A_34 = arith.addf %mul3A_28, %mul3A_33 : vector<16xf32>
      %swap3A_35 = arith.index_cast %mul3A_24 : i32 to index
      %swap3A_36 = tpu.vector_load %arg20[%swap3A_35] {strides = array<i32>} : memref<8192xf32, #tpu.memory_space<vmem>>, vector<16xf32>,
      tpu.vector_store %arg20[%swap3A_35], %add3A_34 {strides = array<i32>} : memref<8192xf32, #tpu.memory_space<vmem>>, vector<16xf32>,
      %get3A_37 = arith.index_cast %mul3A_24 : i32 to index
      %get3A_38 = tpu.vector_load %arg14[%get3A_37] {strides = array<i32>} : memref<8192xf32, #tpu.memory_space<vmem>>, vector<16xf32>,
      %get3A_39 = arith.index_cast %mul3A_24 : i32 to index
      %get3A_40 = tpu.vector_load %arg14[%get3A_39] {strides = array<i32>} : memref<8192xf32, #tpu.memory_space<vmem>>, vector<16xf32>,
      %mul3A_41 = arith.mulf %get3A_38, %get3A_40 : vector<16xf32>
      %get3A_42 = arith.index_cast %mul3A_24 : i32 to index
      %get3A_43 = tpu.vector_load %arg15[%get3A_42] {strides = array<i32>} : memref<8192xf32, #tpu.memory_space<vmem>>, vector<16xf32>,
      %get3A_44 = arith.index_cast %mul3A_24 : i32 to index
      %get3A_45 = tpu.vector_load %arg15[%get3A_44] {strides = array<i32>} : memref<8192xf32, #tpu.memory_space<vmem>>, vector<16xf32>,
      %mul3A_46 = arith.mulf %get3A_43, %get3A_45 : vector<16xf32>
      %add3A_47 = arith.addf %mul3A_41, %mul3A_46 : vector<16xf32>
      %swap3A_48 = arith.index_cast %mul3A_24 : i32 to index
      %swap3A_49 = tpu.vector_load %arg21[%swap3A_48] {strides = array<i32>} : memref<8192xf32, #tpu.memory_space<vmem>>, vector<16xf32>,
      tpu.vector_store %arg21[%swap3A_48], %add3A_47 {strides = array<i32>} : memref<8192xf32, #tpu.memory_space<vmem>>, vector<16xf32>,
      %swap3A_50 = arith.index_cast %mul3A_24 : i32 to index
      %swap3A_51 = tpu.vector_load %arg22[%swap3A_50] {strides = array<i32>} : memref<8192xf32, #tpu.memory_space<vmem>>, vector<16xf32>,
      tpu.vector_store %arg22[%swap3A_50], %broadcast_in_dim3A_1 {strides = array<i32>} : memref<8192xf32, #tpu.memory_space<vmem>>, vector<16xf32>,
    }
    %scan3A_6 = arith.constant 512 : i32
    %mul3A_7 = arith.constant 256 : i32
    %mul3A_8 = arith.muli %add3A, %mul3A_7 : i32
    %scan3A_9 = arith.constant 0.000000e+00 : f32
    %scan3A_10 = arith.constant 0 : i32
    %scan3A_11 = arith.constant 16 : i32
    %scan3A_12 = arith.addi %scan3A_10, %scan3A_11 : i32
    %scan3A_13 = arith.constant 1 : i32
    %scan3A_14 = scf.for %scan3A_22 = %scan3A_10 to %scan3A_12 step %scan3A_13 iter_args(%scan3A_23 = %scan3A_9) -> (f32)  : i32 {
      %mul3A_24 = arith.constant 16 : i32
      %mul3A_25 = arith.muli %scan3A_22, %mul3A_24 : i32
      %add3A_26 = arith.addi %mul3A_8, %mul3A_25 : i32
      %get3A = arith.index_cast %add3A_26 : i32 to index
      %get3A_27 = tpu.vector_load %arg16[%get3A] {strides = array<i32>} : memref<8192xf32, #tpu.memory_space<vmem>>, vector<16xf32>,
      %get3A_28 = arith.index_cast %add3A_26 : i32 to index
      %get3A_29 = tpu.vector_load %arg17[%get3A_28] {strides = array<i32>} : memref<8192xf32, #tpu.memory_space<vmem>>, vector<16xf32>,
      %get3A_30 = arith.index_cast %add3A_26 : i32 to index
      %get3A_31 = tpu.vector_load %arg20[%get3A_30] {strides = array<i32>} : memref<8192xf32, #tpu.memory_space<vmem>>, vector<16xf32>,
      %slice3A = vector.extract_strided_slice %get3A_27 {offsets = [0], sizes = [1], strides = [1]} : vector<16xf32> to vector<1xf32>
      %squeeze3A = vector.extract %slice3A[0] : f32 from vector<1xf32>
      %mul3A_32 = arith.constant 2.000000e+00 : f32
      %mul3A_33 = arith.mulf %mul3A_32, %squeeze3A : f32
      %broadcast_in_dim3A_34 = vector.broadcast %mul3A_33 : f32 to vector<16xf32>
      %slice3A_35 = vector.extract_strided_slice %get3A_27 {offsets = [1], sizes = [1], strides = [1]} : vector<16xf32> to vector<1xf32>
      %squeeze3A_36 = vector.extract %slice3A_35[0] : f32 from vector<1xf32>
      %mul3A_37 = arith.constant 2.000000e+00 : f32
      %mul3A_38 = arith.mulf %mul3A_37, %squeeze3A_36 : f32
      %broadcast_in_dim3A_39 = vector.broadcast %mul3A_38 : f32 to vector<16xf32>
      %slice3A_40 = vector.extract_strided_slice %get3A_27 {offsets = [2], sizes = [1], strides = [1]} : vector<16xf32> to vector<1xf32>
      %squeeze3A_41 = vector.extract %slice3A_40[0] : f32 from vector<1xf32>
      %mul3A_42 = arith.constant 2.000000e+00 : f32
      %mul3A_43 = arith.mulf %mul3A_42, %squeeze3A_41 : f32
      %broadcast_in_dim3A_44 = vector.broadcast %mul3A_43 : f32 to vector<16xf32>
      %slice3A_45 = vector.extract_strided_slice %get3A_27 {offsets = [3], sizes = [1], strides = [1]} : vector<16xf32> to vector<1xf32>
      %squeeze3A_46 = vector.extract %slice3A_45[0] : f32 from vector<1xf32>
      %mul3A_47 = arith.constant 2.000000e+00 : f32
      %mul3A_48 = arith.mulf %mul3A_47, %squeeze3A_46 : f32
      %broadcast_in_dim3A_49 = vector.broadcast %mul3A_48 : f32 to vector<16xf32>
      %slice3A_50 = vector.extract_strided_slice %get3A_27 {offsets = [4], sizes = [1], strides = [1]} : vector<16xf32> to vector<1xf32>
      %squeeze3A_51 = vector.extract %slice3A_50[0] : f32 from vector<1xf32>
      %mul3A_52 = arith.constant 2.000000e+00 : f32
      %mul3A_53 = arith.mulf %mul3A_52, %squeeze3A_51 : f32
      %broadcast_in_dim3A_54 = vector.broadcast %mul3A_53 : f32 to vector<16xf32>
      %slice3A_55 = vector.extract_strided_slice %get3A_27 {offsets = [5], sizes = [1], strides = [1]} : vector<16xf32> to vector<1xf32>
      %squeeze3A_56 = vector.extract %slice3A_55[0] : f32 from vector<1xf32>
      %mul3A_57 = arith.constant 2.000000e+00 : f32
      %mul3A_58 = arith.mulf %mul3A_57, %squeeze3A_56 : f32
      %broadcast_in_dim3A_59 = vector.broadcast %mul3A_58 : f32 to vector<16xf32>
      %slice3A_60 = vector.extract_strided_slice %get3A_27 {offsets = [6], sizes = [1], strides = [1]} : vector<16xf32> to vector<1xf32>
      %squeeze3A_61 = vector.extract %slice3A_60[0] : f32 from vector<1xf32>
      %mul3A_62 = arith.constant 2.000000e+00 : f32
      %mul3A_63 = arith.mulf %mul3A_62, %squeeze3A_61 : f32
      %broadcast_in_dim3A_64 = vector.broadcast %mul3A_63 : f32 to vector<16xf32>
      %slice3A_65 = vector.extract_strided_slice %get3A_27 {offsets = [7], sizes = [1], strides = [1]} : vector<16xf32> to vector<1xf32>
      %squeeze3A_66 = vector.extract %slice3A_65[0] : f32 from vector<1xf32>
      %mul3A_67 = arith.constant 2.000000e+00 : f32
      %mul3A_68 = arith.mulf %mul3A_67, %squeeze3A_66 : f32
      %broadcast_in_dim3A_69 = vector.broadcast %mul3A_68 : f32 to vector<16xf32>
      %slice3A_70 = vector.extract_strided_slice %get3A_29 {offsets = [0], sizes = [1], strides = [1]} : vector<16xf32> to vector<1xf32>
      %squeeze3A_71 = vector.extract %slice3A_70[0] : f32 from vector<1xf32>
      %mul3A_72 = arith.constant 2.000000e+00 : f32
      %mul3A_73 = arith.mulf %mul3A_72, %squeeze3A_71 : f32
      %broadcast_in_dim3A_74 = vector.broadcast %mul3A_73 : f32 to vector<16xf32>
      %slice3A_75 = vector.extract_strided_slice %get3A_29 {offsets = [1], sizes = [1], strides = [1]} : vector<16xf32> to vector<1xf32>
      %squeeze3A_76 = vector.extract %slice3A_75[0] : f32 from vector<1xf32>
      %mul3A_77 = arith.constant 2.000000e+00 : f32
      %mul3A_78 = arith.mulf %mul3A_77, %squeeze3A_76 : f32
      %broadcast_in_dim3A_79 = vector.broadcast %mul3A_78 : f32 to vector<16xf32>
      %slice3A_80 = vector.extract_strided_slice %get3A_29 {offsets = [2], sizes = [1], strides = [1]} : vector<16xf32> to vector<1xf32>
      %squeeze3A_81 = vector.extract %slice3A_80[0] : f32 from vector<1xf32>
      %mul3A_82 = arith.constant 2.000000e+00 : f32
      %mul3A_83 = arith.mulf %mul3A_82, %squeeze3A_81 : f32
      %broadcast_in_dim3A_84 = vector.broadcast %mul3A_83 : f32 to vector<16xf32>
      %slice3A_85 = vector.extract_strided_slice %get3A_29 {offsets = [3], sizes = [1], strides = [1]} : vector<16xf32> to vector<1xf32>
      %squeeze3A_86 = vector.extract %slice3A_85[0] : f32 from vector<1xf32>
      %mul3A_87 = arith.constant 2.000000e+00 : f32
      %mul3A_88 = arith.mulf %mul3A_87, %squeeze3A_86 : f32
      %broadcast_in_dim3A_89 = vector.broadcast %mul3A_88 : f32 to vector<16xf32>
      %slice3A_90 = vector.extract_strided_slice %get3A_29 {offsets = [4], sizes = [1], strides = [1]} : vector<16xf32> to vector<1xf32>
      %squeeze3A_91 = vector.extract %slice3A_90[0] : f32 from vector<1xf32>
      %mul3A_92 = arith.constant 2.000000e+00 : f32
      %mul3A_93 = arith.mulf %mul3A_92, %squeeze3A_91 : f32
      %broadcast_in_dim3A_94 = vector.broadcast %mul3A_93 : f32 to vector<16xf32>
      %slice3A_95 = vector.extract_strided_slice %get3A_29 {offsets = [5], sizes = [1], strides = [1]} : vector<16xf32> to vector<1xf32>
      %squeeze3A_96 = vector.extract %slice3A_95[0] : f32 from vector<1xf32>
      %mul3A_97 = arith.constant 2.000000e+00 : f32
      %mul3A_98 = arith.mulf %mul3A_97, %squeeze3A_96 : f32
      %broadcast_in_dim3A_99 = vector.broadcast %mul3A_98 : f32 to vector<16xf32>
      %slice3A_100 = vector.extract_strided_slice %get3A_29 {offsets = [6], sizes = [1], strides = [1]} : vector<16xf32> to vector<1xf32>
      %squeeze3A_101 = vector.extract %slice3A_100[0] : f32 from vector<1xf32>
      %mul3A_102 = arith.constant 2.000000e+00 : f32
      %mul3A_103 = arith.mulf %mul3A_102, %squeeze3A_101 : f32
      %broadcast_in_dim3A_104 = vector.broadcast %mul3A_103 : f32 to vector<16xf32>
      %slice3A_105 = vector.extract_strided_slice %get3A_29 {offsets = [7], sizes = [1], strides = [1]} : vector<16xf32> to vector<1xf32>
      %squeeze3A_106 = vector.extract %slice3A_105[0] : f32 from vector<1xf32>
      %mul3A_107 = arith.constant 2.000000e+00 : f32
      %mul3A_108 = arith.mulf %mul3A_107, %squeeze3A_106 : f32
      %broadcast_in_dim3A_109 = vector.broadcast %mul3A_108 : f32 to vector<16xf32>
      %slice3A_110 = vector.extract_strided_slice %get3A_31 {offsets = [0], sizes = [1], strides = [1]} : vector<16xf32> to vector<1xf32>
      %squeeze3A_111 = vector.extract %slice3A_110[0] : f32 from vector<1xf32>
      %broadcast_in_dim3A_112 = vector.broadcast %squeeze3A_111 : f32 to vector<16xf32>
      %slice3A_113 = vector.extract_strided_slice %get3A_31 {offsets = [1], sizes = [1], strides = [1]} : vector<16xf32> to vector<1xf32>
      %squeeze3A_114 = vector.extract %slice3A_113[0] : f32 from vector<1xf32>
      %broadcast_in_dim3A_115 = vector.broadcast %squeeze3A_114 : f32 to vector<16xf32>
      %slice3A_116 = vector.extract_strided_slice %get3A_31 {offsets = [2], sizes = [1], strides = [1]} : vector<16xf32> to vector<1xf32>
      %squeeze3A_117 = vector.extract %slice3A_116[0] : f32 from vector<1xf32>
      %broadcast_in_dim3A_118 = vector.broadcast %squeeze3A_117 : f32 to vector<16xf32>
      %slice3A_119 = vector.extract_strided_slice %get3A_31 {offsets = [3], sizes = [1], strides = [1]} : vector<16xf32> to vector<1xf32>
      %squeeze3A_120 = vector.extract %slice3A_119[0] : f32 from vector<1xf32>
      %broadcast_in_dim3A_121 = vector.broadcast %squeeze3A_120 : f32 to vector<16xf32>
      %slice3A_122 = vector.extract_strided_slice %get3A_31 {offsets = [4], sizes = [1], strides = [1]} : vector<16xf32> to vector<1xf32>
      %squeeze3A_123 = vector.extract %slice3A_122[0] : f32 from vector<1xf32>
      %broadcast_in_dim3A_124 = vector.broadcast %squeeze3A_123 : f32 to vector<16xf32>
      %slice3A_125 = vector.extract_strided_slice %get3A_31 {offsets = [5], sizes = [1], strides = [1]} : vector<16xf32> to vector<1xf32>
      %squeeze3A_126 = vector.extract %slice3A_125[0] : f32 from vector<1xf32>
      %broadcast_in_dim3A_127 = vector.broadcast %squeeze3A_126 : f32 to vector<16xf32>
      %slice3A_128 = vector.extract_strided_slice %get3A_31 {offsets = [6], sizes = [1], strides = [1]} : vector<16xf32> to vector<1xf32>
      %squeeze3A_129 = vector.extract %slice3A_128[0] : f32 from vector<1xf32>
      %broadcast_in_dim3A_130 = vector.broadcast %squeeze3A_129 : f32 to vector<16xf32>
      %slice3A_131 = vector.extract_strided_slice %get3A_31 {offsets = [7], sizes = [1], strides = [1]} : vector<16xf32> to vector<1xf32>
      %squeeze3A_132 = vector.extract %slice3A_131[0] : f32 from vector<1xf32>
      %broadcast_in_dim3A_133 = vector.broadcast %squeeze3A_132 : f32 to vector<16xf32>
      %scan3A_134 = arith.constant 0 : i32
      %scan3A_135 = arith.constant 512 : i32
      %scan3A_136 = arith.addi %scan3A_134, %scan3A_135 : i32
      %scan3A_137 = arith.constant 2 : i32
      %scan3A_138:8 = scf.for %scan3A_408 = %scan3A_134 to %scan3A_136 step %scan3A_137 iter_args(%scan3A_409 = %broadcast_in_dim3A_1, %scan3A_410 = %broadcast_in_dim3A_1, %scan3A_411 = %broadcast_in_dim3A_1, %scan3A_412 = %broadcast_in_dim3A_1, %scan3A_413 = %broadcast_in_dim3A_1, %scan3A_414 = %broadcast_in_dim3A_1, %scan3A_415 = %broadcast_in_dim3A_1, %scan3A_416 = %broadcast_in_dim3A_1) -> (vector<16xf32>, vector<16xf32>, vector<16xf32>, vector<16xf32>, vector<16xf32>, vector<16xf32>, vector<16xf32>, vector<16xf32>)  : i32 {
        %mul3A_417 = arith.constant 16 : i32
        %mul3A_418 = arith.muli %scan3A_408, %mul3A_417 : i32
        %get3A_419 = arith.index_cast %mul3A_418 : i32 to index
        %get3A_420 = tpu.vector_load %arg18[%get3A_419] {strides = array<i32>} : memref<8192xf32, #tpu.memory_space<vmem>>, vector<16xf32>,
        %get3A_421 = arith.index_cast %mul3A_418 : i32 to index
        %get3A_422 = tpu.vector_load %arg19[%get3A_421] {strides = array<i32>} : memref<8192xf32, #tpu.memory_space<vmem>>, vector<16xf32>,
        %get3A_423 = arith.index_cast %mul3A_418 : i32 to index
        %get3A_424 = tpu.vector_load %arg21[%get3A_423] {strides = array<i32>} : memref<8192xf32, #tpu.memory_space<vmem>>, vector<16xf32>,
        %get3A_425 = arith.index_cast %mul3A_418 : i32 to index
        %get3A_426 = tpu.vector_load %arg22[%get3A_425] {strides = array<i32>} : memref<8192xf32, #tpu.memory_space<vmem>>, vector<16xf32>,
        %mul3A_427 = arith.mulf %broadcast_in_dim3A_34, %get3A_420 : vector<16xf32>
        %mul3A_428 = arith.mulf %broadcast_in_dim3A_74, %get3A_422 : vector<16xf32>
        %add3A_429 = arith.addf %mul3A_427, %mul3A_428 : vector<16xf32>
        %sub3A = arith.subf %get3A_424, %add3A_429 : vector<16xf32>
        %min3A = arith.minimumf %scan3A_409, %sub3A : vector<16xf32>
        %sub3A_430 = arith.subf %broadcast_in_dim3A_112, %add3A_429 : vector<16xf32>
        %min3A_431 = arith.minimumf %get3A_426, %sub3A_430 : vector<16xf32>
        %mul3A_432 = arith.mulf %broadcast_in_dim3A_39, %get3A_420 : vector<16xf32>
        %mul3A_433 = arith.mulf %broadcast_in_dim3A_79, %get3A_422 : vector<16xf32>
        %add3A_434 = arith.addf %mul3A_432, %mul3A_433 : vector<16xf32>
        %sub3A_435 = arith.subf %get3A_424, %add3A_434 : vector<16xf32>
        %min3A_436 = arith.minimumf %scan3A_410, %sub3A_435 : vector<16xf32>
        %sub3A_437 = arith.subf %broadcast_in_dim3A_115, %add3A_434 : vector<16xf32>
        %min3A_438 = arith.minimumf %min3A_431, %sub3A_437 : vector<16xf32>
        %mul3A_439 = arith.mulf %broadcast_in_dim3A_44, %get3A_420 : vector<16xf32>
        %mul3A_440 = arith.mulf %broadcast_in_dim3A_84, %get3A_422 : vector<16xf32>
        %add3A_441 = arith.addf %mul3A_439, %mul3A_440 : vector<16xf32>
        %sub3A_442 = arith.subf %get3A_424, %add3A_441 : vector<16xf32>
        %min3A_443 = arith.minimumf %scan3A_411, %sub3A_442 : vector<16xf32>
        %sub3A_444 = arith.subf %broadcast_in_dim3A_118, %add3A_441 : vector<16xf32>
        %min3A_445 = arith.minimumf %min3A_438, %sub3A_444 : vector<16xf32>
        %mul3A_446 = arith.mulf %broadcast_in_dim3A_49, %get3A_420 : vector<16xf32>
        %mul3A_447 = arith.mulf %broadcast_in_dim3A_89, %get3A_422 : vector<16xf32>
        %add3A_448 = arith.addf %mul3A_446, %mul3A_447 : vector<16xf32>
        %sub3A_449 = arith.subf %get3A_424, %add3A_448 : vector<16xf32>
        %min3A_450 = arith.minimumf %scan3A_412, %sub3A_449 : vector<16xf32>
        %sub3A_451 = arith.subf %broadcast_in_dim3A_121, %add3A_448 : vector<16xf32>
        %min3A_452 = arith.minimumf %min3A_445, %sub3A_451 : vector<16xf32>
        %mul3A_453 = arith.mulf %broadcast_in_dim3A_54, %get3A_420 : vector<16xf32>
        %mul3A_454 = arith.mulf %broadcast_in_dim3A_94, %get3A_422 : vector<16xf32>
        %add3A_455 = arith.addf %mul3A_453, %mul3A_454 : vector<16xf32>
        %sub3A_456 = arith.subf %get3A_424, %add3A_455 : vector<16xf32>
        %min3A_457 = arith.minimumf %scan3A_413, %sub3A_456 : vector<16xf32>
        %sub3A_458 = arith.subf %broadcast_in_dim3A_124, %add3A_455 : vector<16xf32>
        %min3A_459 = arith.minimumf %min3A_452, %sub3A_458 : vector<16xf32>
        %mul3A_460 = arith.mulf %broadcast_in_dim3A_59, %get3A_420 : vector<16xf32>
        %mul3A_461 = arith.mulf %broadcast_in_dim3A_99, %get3A_422 : vector<16xf32>
        %add3A_462 = arith.addf %mul3A_460, %mul3A_461 : vector<16xf32>
        %sub3A_463 = arith.subf %get3A_424, %add3A_462 : vector<16xf32>
        %min3A_464 = arith.minimumf %scan3A_414, %sub3A_463 : vector<16xf32>
        %sub3A_465 = arith.subf %broadcast_in_dim3A_127, %add3A_462 : vector<16xf32>
        %min3A_466 = arith.minimumf %min3A_459, %sub3A_465 : vector<16xf32>
        %mul3A_467 = arith.mulf %broadcast_in_dim3A_64, %get3A_420 : vector<16xf32>
        %mul3A_468 = arith.mulf %broadcast_in_dim3A_104, %get3A_422 : vector<16xf32>
        %add3A_469 = arith.addf %mul3A_467, %mul3A_468 : vector<16xf32>
        %sub3A_470 = arith.subf %get3A_424, %add3A_469 : vector<16xf32>
        %min3A_471 = arith.minimumf %scan3A_415, %sub3A_470 : vector<16xf32>
        %sub3A_472 = arith.subf %broadcast_in_dim3A_130, %add3A_469 : vector<16xf32>
        %min3A_473 = arith.minimumf %min3A_466, %sub3A_472 : vector<16xf32>
        %mul3A_474 = arith.mulf %broadcast_in_dim3A_69, %get3A_420 : vector<16xf32>
        %mul3A_475 = arith.mulf %broadcast_in_dim3A_109, %get3A_422 : vector<16xf32>
        %add3A_476 = arith.addf %mul3A_474, %mul3A_475 : vector<16xf32>
        %sub3A_477 = arith.subf %get3A_424, %add3A_476 : vector<16xf32>
        %min3A_478 = arith.minimumf %scan3A_416, %sub3A_477 : vector<16xf32>
        %sub3A_479 = arith.subf %broadcast_in_dim3A_133, %add3A_476 : vector<16xf32>
        %min3A_480 = arith.minimumf %min3A_473, %sub3A_479 : vector<16xf32>
        %swap3A_481 = arith.index_cast %mul3A_418 : i32 to index
        %swap3A_482 = tpu.vector_load %arg22[%swap3A_481] {strides = array<i32>} : memref<8192xf32, #tpu.memory_space<vmem>>, vector<16xf32>,
        tpu.vector_store %arg22[%swap3A_481], %min3A_480 {strides = array<i32>} : memref<8192xf32, #tpu.memory_space<vmem>>, vector<16xf32>,
        %scan3A_483 = arith.constant 1 : i32
        %scan3A_484 = arith.addi %scan3A_408, %scan3A_483 : i32
        %mul3A_485 = arith.constant 16 : i32
        %mul3A_486 = arith.muli %scan3A_484, %mul3A_485 : i32
        %get3A_487 = arith.index_cast %mul3A_486 : i32 to index
        %get3A_488 = tpu.vector_load %arg18[%get3A_487] {strides = array<i32>} : memref<8192xf32, #tpu.memory_space<vmem>>, vector<16xf32>,
        %get3A_489 = arith.index_cast %mul3A_486 : i32 to index
        %get3A_490 = tpu.vector_load %arg19[%get3A_489] {strides = array<i32>} : memref<8192xf32, #tpu.memory_space<vmem>>, vector<16xf32>,
        %get3A_491 = arith.index_cast %mul3A_486 : i32 to index
        %get3A_492 = tpu.vector_load %arg21[%get3A_491] {strides = array<i32>} : memref<8192xf32, #tpu.memory_space<vmem>>, vector<16xf32>,
        %get3A_493 = arith.index_cast %mul3A_486 : i32 to index
        %get3A_494 = tpu.vector_load %arg22[%get3A_493] {strides = array<i32>} : memref<8192xf32, #tpu.memory_space<vmem>>, vector<16xf32>,
        %mul3A_495 = arith.mulf %broadcast_in_dim3A_34, %get3A_488 : vector<16xf32>
        %mul3A_496 = arith.mulf %broadcast_in_dim3A_74, %get3A_490 : vector<16xf32>
        %add3A_497 = arith.addf %mul3A_495, %mul3A_496 : vector<16xf32>
        %sub3A_498 = arith.subf %get3A_492, %add3A_497 : vector<16xf32>
        %min3A_499 = arith.minimumf %min3A, %sub3A_498 : vector<16xf32>
        %sub3A_500 = arith.subf %broadcast_in_dim3A_112, %add3A_497 : vector<16xf32>
        %min3A_501 = arith.minimumf %get3A_494, %sub3A_500 : vector<16xf32>
        %mul3A_502 = arith.mulf %broadcast_in_dim3A_39, %get3A_488 : vector<16xf32>
        %mul3A_503 = arith.mulf %broadcast_in_dim3A_79, %get3A_490 : vector<16xf32>
        %add3A_504 = arith.addf %mul3A_502, %mul3A_503 : vector<16xf32>
        %sub3A_505 = arith.subf %get3A_492, %add3A_504 : vector<16xf32>
        %min3A_506 = arith.minimumf %min3A_436, %sub3A_505 : vector<16xf32>
        %sub3A_507 = arith.subf %broadcast_in_dim3A_115, %add3A_504 : vector<16xf32>
        %min3A_508 = arith.minimumf %min3A_501, %sub3A_507 : vector<16xf32>
        %mul3A_509 = arith.mulf %broadcast_in_dim3A_44, %get3A_488 : vector<16xf32>
        %mul3A_510 = arith.mulf %broadcast_in_dim3A_84, %get3A_490 : vector<16xf32>
        %add3A_511 = arith.addf %mul3A_509, %mul3A_510 : vector<16xf32>
        %sub3A_512 = arith.subf %get3A_492, %add3A_511 : vector<16xf32>
        %min3A_513 = arith.minimumf %min3A_443, %sub3A_512 : vector<16xf32>
        %sub3A_514 = arith.subf %broadcast_in_dim3A_118, %add3A_511 : vector<16xf32>
        %min3A_515 = arith.minimumf %min3A_508, %sub3A_514 : vector<16xf32>
        %mul3A_516 = arith.mulf %broadcast_in_dim3A_49, %get3A_488 : vector<16xf32>
        %mul3A_517 = arith.mulf %broadcast_in_dim3A_89, %get3A_490 : vector<16xf32>
        %add3A_518 = arith.addf %mul3A_516, %mul3A_517 : vector<16xf32>
        %sub3A_519 = arith.subf %get3A_492, %add3A_518 : vector<16xf32>
        %min3A_520 = arith.minimumf %min3A_450, %sub3A_519 : vector<16xf32>
        %sub3A_521 = arith.subf %broadcast_in_dim3A_121, %add3A_518 : vector<16xf32>
        %min3A_522 = arith.minimumf %min3A_515, %sub3A_521 : vector<16xf32>
        %mul3A_523 = arith.mulf %broadcast_in_dim3A_54, %get3A_488 : vector<16xf32>
        %mul3A_524 = arith.mulf %broadcast_in_dim3A_94, %get3A_490 : vector<16xf32>
        %add3A_525 = arith.addf %mul3A_523, %mul3A_524 : vector<16xf32>
        %sub3A_526 = arith.subf %get3A_492, %add3A_525 : vector<16xf32>
        %min3A_527 = arith.minimumf %min3A_457, %sub3A_526 : vector<16xf32>
        %sub3A_528 = arith.subf %broadcast_in_dim3A_124, %add3A_525 : vector<16xf32>
        %min3A_529 = arith.minimumf %min3A_522, %sub3A_528 : vector<16xf32>
        %mul3A_530 = arith.mulf %broadcast_in_dim3A_59, %get3A_488 : vector<16xf32>
        %mul3A_531 = arith.mulf %broadcast_in_dim3A_99, %get3A_490 : vector<16xf32>
        %add3A_532 = arith.addf %mul3A_530, %mul3A_531 : vector<16xf32>
        %sub3A_533 = arith.subf %get3A_492, %add3A_532 : vector<16xf32>
        %min3A_534 = arith.minimumf %min3A_464, %sub3A_533 : vector<16xf32>
        %sub3A_535 = arith.subf %broadcast_in_dim3A_127, %add3A_532 : vector<16xf32>
        %min3A_536 = arith.minimumf %min3A_529, %sub3A_535 : vector<16xf32>
        %mul3A_537 = arith.mulf %broadcast_in_dim3A_64, %get3A_488 : vector<16xf32>
        %mul3A_538 = arith.mulf %broadcast_in_dim3A_104, %get3A_490 : vector<16xf32>
        %add3A_539 = arith.addf %mul3A_537, %mul3A_538 : vector<16xf32>
        %sub3A_540 = arith.subf %get3A_492, %add3A_539 : vector<16xf32>
        %min3A_541 = arith.minimumf %min3A_471, %sub3A_540 : vector<16xf32>
        %sub3A_542 = arith.subf %broadcast_in_dim3A_130, %add3A_539 : vector<16xf32>
        %min3A_543 = arith.minimumf %min3A_536, %sub3A_542 : vector<16xf32>
        %mul3A_544 = arith.mulf %broadcast_in_dim3A_69, %get3A_488 : vector<16xf32>
        %mul3A_545 = arith.mulf %broadcast_in_dim3A_109, %get3A_490 : vector<16xf32>
        %add3A_546 = arith.addf %mul3A_544, %mul3A_545 : vector<16xf32>
        %sub3A_547 = arith.subf %get3A_492, %add3A_546 : vector<16xf32>
        %min3A_548 = arith.minimumf %min3A_478, %sub3A_547 : vector<16xf32>
        %sub3A_549 = arith.subf %broadcast_in_dim3A_133, %add3A_546 : vector<16xf32>
        %min3A_550 = arith.minimumf %min3A_543, %sub3A_549 : vector<16xf32>
        %swap3A_551 = arith.index_cast %mul3A_486 : i32 to index
        %swap3A_552 = tpu.vector_load %arg22[%swap3A_551] {strides = array<i32>} : memref<8192xf32, #tpu.memory_space<vmem>>, vector<16xf32>,
        tpu.vector_store %arg22[%swap3A_551], %min3A_550 {strides = array<i32>} : memref<8192xf32, #tpu.memory_space<vmem>>, vector<16xf32>,
        scf.yield %min3A_499, %min3A_506, %min3A_513, %min3A_520, %min3A_527, %min3A_534, %min3A_541, %min3A_548 : vector<16xf32>, vector<16xf32>, vector<16xf32>, vector<16xf32>, vector<16xf32>, vector<16xf32>, vector<16xf32>, vector<16xf32>
      }
      %scan3A_139 = arith.constant 512 : i32
      %slice3A_140 = vector.extract_strided_slice %get3A_31 {offsets = [0], sizes = [1], strides = [1]} : vector<16xf32> to vector<1xf32>
      %squeeze3A_141 = vector.extract %slice3A_140[0] : f32 from vector<1xf32>
      %reduce_min3A = arith.constant true
      %reduce_min3A_142 = vector.broadcast %reduce_min3A : i1 to vector<16xi1>
      %reduce_min3A_143 = tpu.scan <min>, %scan3A_138#0 masked %reduce_min3A_142 : vector<16xf32>, vector<16xi1> -> vector<16xf32>
      %reduce_min3A_144 = vector.extract %reduce_min3A_143[15] : f32 from vector<16xf32>
      %add3A_145 = arith.addf %squeeze3A_141, %reduce_min3A_144 : f32
      %max3A = arith.constant 0.000000e+00 : f32
      %max3A_146 = arith.maximumf %add3A_145, %max3A : f32
      %add3A_147 = arith.addf %scan3A_23, %max3A_146 : f32
      %slice3A_148 = vector.extract_strided_slice %get3A_31 {offsets = [1], sizes = [1], strides = [1]} : vector<16xf32> to vector<1xf32>
      %squeeze3A_149 = vector.extract %slice3A_148[0] : f32 from vector<1xf32>
      %reduce_min3A_150 = arith.constant true
      %reduce_min3A_151 = vector.broadcast %reduce_min3A_150 : i1 to vector<16xi1>
      %reduce_min3A_152 = tpu.scan <min>, %scan3A_138#1 masked %reduce_min3A_151 : vector<16xf32>, vector<16xi1> -> vector<16xf32>
      %reduce_min3A_153 = vector.extract %reduce_min3A_152[15] : f32 from vector<16xf32>
      %add3A_154 = arith.addf %squeeze3A_149, %reduce_min3A_153 : f32
      %max3A_155 = arith.constant 0.000000e+00 : f32
      %max3A_156 = arith.maximumf %add3A_154, %max3A_155 : f32
      %add3A_157 = arith.addf %add3A_147, %max3A_156 : f32
      %slice3A_158 = vector.extract_strided_slice %get3A_31 {offsets = [2], sizes = [1], strides = [1]} : vector<16xf32> to vector<1xf32>
      %squeeze3A_159 = vector.extract %slice3A_158[0] : f32 from vector<1xf32>
      %reduce_min3A_160 = arith.constant true
      %reduce_min3A_161 = vector.broadcast %reduce_min3A_160 : i1 to vector<16xi1>
      %reduce_min3A_162 = tpu.scan <min>, %scan3A_138#2 masked %reduce_min3A_161 : vector<16xf32>, vector<16xi1> -> vector<16xf32>
      %reduce_min3A_163 = vector.extract %reduce_min3A_162[15] : f32 from vector<16xf32>
      %add3A_164 = arith.addf %squeeze3A_159, %reduce_min3A_163 : f32
      %max3A_165 = arith.constant 0.000000e+00 : f32
      %max3A_166 = arith.maximumf %add3A_164, %max3A_165 : f32
      %add3A_167 = arith.addf %add3A_157, %max3A_166 : f32
      %slice3A_168 = vector.extract_strided_slice %get3A_31 {offsets = [3], sizes = [1], strides = [1]} : vector<16xf32> to vector<1xf32>
      %squeeze3A_169 = vector.extract %slice3A_168[0] : f32 from vector<1xf32>
      %reduce_min3A_170 = arith.constant true
      %reduce_min3A_171 = vector.broadcast %reduce_min3A_170 : i1 to vector<16xi1>
      %reduce_min3A_172 = tpu.scan <min>, %scan3A_138#3 masked %reduce_min3A_171 : vector<16xf32>, vector<16xi1> -> vector<16xf32>
      %reduce_min3A_173 = vector.extract %reduce_min3A_172[15] : f32 from vector<16xf32>
      %add3A_174 = arith.addf %squeeze3A_169, %reduce_min3A_173 : f32
      %max3A_175 = arith.constant 0.000000e+00 : f32
      %max3A_176 = arith.maximumf %add3A_174, %max3A_175 : f32
      %add3A_177 = arith.addf %add3A_167, %max3A_176 : f32
      %slice3A_178 = vector.extract_strided_slice %get3A_31 {offsets = [4], sizes = [1], strides = [1]} : vector<16xf32> to vector<1xf32>
      %squeeze3A_179 = vector.extract %slice3A_178[0] : f32 from vector<1xf32>
      %reduce_min3A_180 = arith.constant true
      %reduce_min3A_181 = vector.broadcast %reduce_min3A_180 : i1 to vector<16xi1>
      %reduce_min3A_182 = tpu.scan <min>, %scan3A_138#4 masked %reduce_min3A_181 : vector<16xf32>, vector<16xi1> -> vector<16xf32>
      %reduce_min3A_183 = vector.extract %reduce_min3A_182[15] : f32 from vector<16xf32>
      %add3A_184 = arith.addf %squeeze3A_179, %reduce_min3A_183 : f32
      %max3A_185 = arith.constant 0.000000e+00 : f32
      %max3A_186 = arith.maximumf %add3A_184, %max3A_185 : f32
      %add3A_187 = arith.addf %add3A_177, %max3A_186 : f32
      %slice3A_188 = vector.extract_strided_slice %get3A_31 {offsets = [5], sizes = [1], strides = [1]} : vector<16xf32> to vector<1xf32>
      %squeeze3A_189 = vector.extract %slice3A_188[0] : f32 from vector<1xf32>
      %reduce_min3A_190 = arith.constant true
      %reduce_min3A_191 = vector.broadcast %reduce_min3A_190 : i1 to vector<16xi1>
      %reduce_min3A_192 = tpu.scan <min>, %scan3A_138#5 masked %reduce_min3A_191 : vector<16xf32>, vector<16xi1> -> vector<16xf32>
      %reduce_min3A_193 = vector.extract %reduce_min3A_192[15] : f32 from vector<16xf32>
      %add3A_194 = arith.addf %squeeze3A_189, %reduce_min3A_193 : f32
      %max3A_195 = arith.constant 0.000000e+00 : f32
      %max3A_196 = arith.maximumf %add3A_194, %max3A_195 : f32
      %add3A_197 = arith.addf %add3A_187, %max3A_196 : f32
      %slice3A_198 = vector.extract_strided_slice %get3A_31 {offsets = [6], sizes = [1], strides = [1]} : vector<16xf32> to vector<1xf32>
      %squeeze3A_199 = vector.extract %slice3A_198[0] : f32 from vector<1xf32>
      %reduce_min3A_200 = arith.constant true
      %reduce_min3A_201 = vector.broadcast %reduce_min3A_200 : i1 to vector<16xi1>
      %reduce_min3A_202 = tpu.scan <min>, %scan3A_138#6 masked %reduce_min3A_201 : vector<16xf32>, vector<16xi1> -> vector<16xf32>
      %reduce_min3A_203 = vector.extract %reduce_min3A_202[15] : f32 from vector<16xf32>
      %add3A_204 = arith.addf %squeeze3A_199, %reduce_min3A_203 : f32
      %max3A_205 = arith.constant 0.000000e+00 : f32
      %max3A_206 = arith.maximumf %add3A_204, %max3A_205 : f32
      %add3A_207 = arith.addf %add3A_197, %max3A_206 : f32
      %slice3A_208 = vector.extract_strided_slice %get3A_31 {offsets = [7], sizes = [1], strides = [1]} : vector<16xf32> to vector<1xf32>
      %squeeze3A_209 = vector.extract %slice3A_208[0] : f32 from vector<1xf32>
      %reduce_min3A_210 = arith.constant true
      %reduce_min3A_211 = vector.broadcast %reduce_min3A_210 : i1 to vector<16xi1>
      %reduce_min3A_212 = tpu.scan <min>, %scan3A_138#7 masked %reduce_min3A_211 : vector<16xf32>, vector<16xi1> -> vector<16xf32>
      %reduce_min3A_213 = vector.extract %reduce_min3A_212[15] : f32 from vector<16xf32>
      %add3A_214 = arith.addf %squeeze3A_209, %reduce_min3A_213 : f32
      %max3A_215 = arith.constant 0.000000e+00 : f32
      %max3A_216 = arith.maximumf %add3A_214, %max3A_215 : f32
      %add3A_217 = arith.addf %add3A_207, %max3A_216 : f32
      %slice3A_218 = vector.extract_strided_slice %get3A_27 {offsets = [8], sizes = [1], strides = [1]} : vector<16xf32> to vector<1xf32>
      %squeeze3A_219 = vector.extract %slice3A_218[0] : f32 from vector<1xf32>
      %mul3A_220 = arith.constant 2.000000e+00 : f32
      %mul3A_221 = arith.mulf %mul3A_220, %squeeze3A_219 : f32
      %broadcast_in_dim3A_222 = vector.broadcast %mul3A_221 : f32 to vector<16xf32>
      %slice3A_223 = vector.extract_strided_slice %get3A_27 {offsets = [9], sizes = [1], strides = [1]} : vector<16xf32> to vector<1xf32>
      %squeeze3A_224 = vector.extract %slice3A_223[0] : f32 from vector<1xf32>
      %mul3A_225 = arith.constant 2.000000e+00 : f32
      %mul3A_226 = arith.mulf %mul3A_225, %squeeze3A_224 : f32
      %broadcast_in_dim3A_227 = vector.broadcast %mul3A_226 : f32 to vector<16xf32>
      %slice3A_228 = vector.extract_strided_slice %get3A_27 {offsets = [10], sizes = [1], strides = [1]} : vector<16xf32> to vector<1xf32>
      %squeeze3A_229 = vector.extract %slice3A_228[0] : f32 from vector<1xf32>
      %mul3A_230 = arith.constant 2.000000e+00 : f32
      %mul3A_231 = arith.mulf %mul3A_230, %squeeze3A_229 : f32
      %broadcast_in_dim3A_232 = vector.broadcast %mul3A_231 : f32 to vector<16xf32>
      %slice3A_233 = vector.extract_strided_slice %get3A_27 {offsets = [11], sizes = [1], strides = [1]} : vector<16xf32> to vector<1xf32>
      %squeeze3A_234 = vector.extract %slice3A_233[0] : f32 from vector<1xf32>
      %mul3A_235 = arith.constant 2.000000e+00 : f32
      %mul3A_236 = arith.mulf %mul3A_235, %squeeze3A_234 : f32
      %broadcast_in_dim3A_237 = vector.broadcast %mul3A_236 : f32 to vector<16xf32>
      %slice3A_238 = vector.extract_strided_slice %get3A_27 {offsets = [12], sizes = [1], strides = [1]} : vector<16xf32> to vector<1xf32>
      %squeeze3A_239 = vector.extract %slice3A_238[0] : f32 from vector<1xf32>
      %mul3A_240 = arith.constant 2.000000e+00 : f32
      %mul3A_241 = arith.mulf %mul3A_240, %squeeze3A_239 : f32
      %broadcast_in_dim3A_242 = vector.broadcast %mul3A_241 : f32 to vector<16xf32>
      %slice3A_243 = vector.extract_strided_slice %get3A_27 {offsets = [13], sizes = [1], strides = [1]} : vector<16xf32> to vector<1xf32>
      %squeeze3A_244 = vector.extract %slice3A_243[0] : f32 from vector<1xf32>
      %mul3A_245 = arith.constant 2.000000e+00 : f32
      %mul3A_246 = arith.mulf %mul3A_245, %squeeze3A_244 : f32
      %broadcast_in_dim3A_247 = vector.broadcast %mul3A_246 : f32 to vector<16xf32>
      %slice3A_248 = vector.extract_strided_slice %get3A_27 {offsets = [14], sizes = [1], strides = [1]} : vector<16xf32> to vector<1xf32>
      %squeeze3A_249 = vector.extract %slice3A_248[0] : f32 from vector<1xf32>
      %mul3A_250 = arith.constant 2.000000e+00 : f32
      %mul3A_251 = arith.mulf %mul3A_250, %squeeze3A_249 : f32
      %broadcast_in_dim3A_252 = vector.broadcast %mul3A_251 : f32 to vector<16xf32>
      %slice3A_253 = vector.extract_strided_slice %get3A_27 {offsets = [15], sizes = [1], strides = [1]} : vector<16xf32> to vector<1xf32>
      %squeeze3A_254 = vector.extract %slice3A_253[0] : f32 from vector<1xf32>
      %mul3A_255 = arith.constant 2.000000e+00 : f32
      %mul3A_256 = arith.mulf %mul3A_255, %squeeze3A_254 : f32
      %broadcast_in_dim3A_257 = vector.broadcast %mul3A_256 : f32 to vector<16xf32>
      %slice3A_258 = vector.extract_strided_slice %get3A_29 {offsets = [8], sizes = [1], strides = [1]} : vector<16xf32> to vector<1xf32>
      %squeeze3A_259 = vector.extract %slice3A_258[0] : f32 from vector<1xf32>
      %mul3A_260 = arith.constant 2.000000e+00 : f32
      %mul3A_261 = arith.mulf %mul3A_260, %squeeze3A_259 : f32
      %broadcast_in_dim3A_262 = vector.broadcast %mul3A_261 : f32 to vector<16xf32>
      %slice3A_263 = vector.extract_strided_slice %get3A_29 {offsets = [9], sizes = [1], strides = [1]} : vector<16xf32> to vector<1xf32>
      %squeeze3A_264 = vector.extract %slice3A_263[0] : f32 from vector<1xf32>
      %mul3A_265 = arith.constant 2.000000e+00 : f32
      %mul3A_266 = arith.mulf %mul3A_265, %squeeze3A_264 : f32
      %broadcast_in_dim3A_267 = vector.broadcast %mul3A_266 : f32 to vector<16xf32>
      %slice3A_268 = vector.extract_strided_slice %get3A_29 {offsets = [10], sizes = [1], strides = [1]} : vector<16xf32> to vector<1xf32>
      %squeeze3A_269 = vector.extract %slice3A_268[0] : f32 from vector<1xf32>
      %mul3A_270 = arith.constant 2.000000e+00 : f32
      %mul3A_271 = arith.mulf %mul3A_270, %squeeze3A_269 : f32
      %broadcast_in_dim3A_272 = vector.broadcast %mul3A_271 : f32 to vector<16xf32>
      %slice3A_273 = vector.extract_strided_slice %get3A_29 {offsets = [11], sizes = [1], strides = [1]} : vector<16xf32> to vector<1xf32>
      %squeeze3A_274 = vector.extract %slice3A_273[0] : f32 from vector<1xf32>
      %mul3A_275 = arith.constant 2.000000e+00 : f32
      %mul3A_276 = arith.mulf %mul3A_275, %squeeze3A_274 : f32
      %broadcast_in_dim3A_277 = vector.broadcast %mul3A_276 : f32 to vector<16xf32>
      %slice3A_278 = vector.extract_strided_slice %get3A_29 {offsets = [12], sizes = [1], strides = [1]} : vector<16xf32> to vector<1xf32>
      %squeeze3A_279 = vector.extract %slice3A_278[0] : f32 from vector<1xf32>
      %mul3A_280 = arith.constant 2.000000e+00 : f32
      %mul3A_281 = arith.mulf %mul3A_280, %squeeze3A_279 : f32
      %broadcast_in_dim3A_282 = vector.broadcast %mul3A_281 : f32 to vector<16xf32>
      %slice3A_283 = vector.extract_strided_slice %get3A_29 {offsets = [13], sizes = [1], strides = [1]} : vector<16xf32> to vector<1xf32>
      %squeeze3A_284 = vector.extract %slice3A_283[0] : f32 from vector<1xf32>
      %mul3A_285 = arith.constant 2.000000e+00 : f32
      %mul3A_286 = arith.mulf %mul3A_285, %squeeze3A_284 : f32
      %broadcast_in_dim3A_287 = vector.broadcast %mul3A_286 : f32 to vector<16xf32>
      %slice3A_288 = vector.extract_strided_slice %get3A_29 {offsets = [14], sizes = [1], strides = [1]} : vector<16xf32> to vector<1xf32>
      %squeeze3A_289 = vector.extract %slice3A_288[0] : f32 from vector<1xf32>
      %mul3A_290 = arith.constant 2.000000e+00 : f32
      %mul3A_291 = arith.mulf %mul3A_290, %squeeze3A_289 : f32
      %broadcast_in_dim3A_292 = vector.broadcast %mul3A_291 : f32 to vector<16xf32>
      %slice3A_293 = vector.extract_strided_slice %get3A_29 {offsets = [15], sizes = [1], strides = [1]} : vector<16xf32> to vector<1xf32>
      %squeeze3A_294 = vector.extract %slice3A_293[0] : f32 from vector<1xf32>
      %mul3A_295 = arith.constant 2.000000e+00 : f32
      %mul3A_296 = arith.mulf %mul3A_295, %squeeze3A_294 : f32
      %broadcast_in_dim3A_297 = vector.broadcast %mul3A_296 : f32 to vector<16xf32>
      %slice3A_298 = vector.extract_strided_slice %get3A_31 {offsets = [8], sizes = [1], strides = [1]} : vector<16xf32> to vector<1xf32>
      %squeeze3A_299 = vector.extract %slice3A_298[0] : f32 from vector<1xf32>
      %broadcast_in_dim3A_300 = vector.broadcast %squeeze3A_299 : f32 to vector<16xf32>
      %slice3A_301 = vector.extract_strided_slice %get3A_31 {offsets = [9], sizes = [1], strides = [1]} : vector<16xf32> to vector<1xf32>
      %squeeze3A_302 = vector.extract %slice3A_301[0] : f32 from vector<1xf32>
      %broadcast_in_dim3A_303 = vector.broadcast %squeeze3A_302 : f32 to vector<16xf32>
      %slice3A_304 = vector.extract_strided_slice %get3A_31 {offsets = [10], sizes = [1], strides = [1]} : vector<16xf32> to vector<1xf32>
      %squeeze3A_305 = vector.extract %slice3A_304[0] : f32 from vector<1xf32>
      %broadcast_in_dim3A_306 = vector.broadcast %squeeze3A_305 : f32 to vector<16xf32>
      %slice3A_307 = vector.extract_strided_slice %get3A_31 {offsets = [11], sizes = [1], strides = [1]} : vector<16xf32> to vector<1xf32>
      %squeeze3A_308 = vector.extract %slice3A_307[0] : f32 from vector<1xf32>
      %broadcast_in_dim3A_309 = vector.broadcast %squeeze3A_308 : f32 to vector<16xf32>
      %slice3A_310 = vector.extract_strided_slice %get3A_31 {offsets = [12], sizes = [1], strides = [1]} : vector<16xf32> to vector<1xf32>
      %squeeze3A_311 = vector.extract %slice3A_310[0] : f32 from vector<1xf32>
      %broadcast_in_dim3A_312 = vector.broadcast %squeeze3A_311 : f32 to vector<16xf32>
      %slice3A_313 = vector.extract_strided_slice %get3A_31 {offsets = [13], sizes = [1], strides = [1]} : vector<16xf32> to vector<1xf32>
      %squeeze3A_314 = vector.extract %slice3A_313[0] : f32 from vector<1xf32>
      %broadcast_in_dim3A_315 = vector.broadcast %squeeze3A_314 : f32 to vector<16xf32>
      %slice3A_316 = vector.extract_strided_slice %get3A_31 {offsets = [14], sizes = [1], strides = [1]} : vector<16xf32> to vector<1xf32>
      %squeeze3A_317 = vector.extract %slice3A_316[0] : f32 from vector<1xf32>
      %broadcast_in_dim3A_318 = vector.broadcast %squeeze3A_317 : f32 to vector<16xf32>
      %slice3A_319 = vector.extract_strided_slice %get3A_31 {offsets = [15], sizes = [1], strides = [1]} : vector<16xf32> to vector<1xf32>
      %squeeze3A_320 = vector.extract %slice3A_319[0] : f32 from vector<1xf32>
      %broadcast_in_dim3A_321 = vector.broadcast %squeeze3A_320 : f32 to vector<16xf32>
      %scan3A_322 = arith.constant 0 : i32
      %scan3A_323 = arith.constant 512 : i32
      %scan3A_324 = arith.addi %scan3A_322, %scan3A_323 : i32
      %scan3A_325 = arith.constant 2 : i32
      %scan3A_326:8 = scf.for %scan3A_408 = %scan3A_322 to %scan3A_324 step %scan3A_325 iter_args(%scan3A_409 = %broadcast_in_dim3A_1, %scan3A_410 = %broadcast_in_dim3A_1, %scan3A_411 = %broadcast_in_dim3A_1, %scan3A_412 = %broadcast_in_dim3A_1, %scan3A_413 = %broadcast_in_dim3A_1, %scan3A_414 = %broadcast_in_dim3A_1, %scan3A_415 = %broadcast_in_dim3A_1, %scan3A_416 = %broadcast_in_dim3A_1) -> (vector<16xf32>, vector<16xf32>, vector<16xf32>, vector<16xf32>, vector<16xf32>, vector<16xf32>, vector<16xf32>, vector<16xf32>)  : i32 {
        %mul3A_417 = arith.constant 16 : i32
        %mul3A_418 = arith.muli %scan3A_408, %mul3A_417 : i32
        %get3A_419 = arith.index_cast %mul3A_418 : i32 to index
        %get3A_420 = tpu.vector_load %arg18[%get3A_419] {strides = array<i32>} : memref<8192xf32, #tpu.memory_space<vmem>>, vector<16xf32>,
        %get3A_421 = arith.index_cast %mul3A_418 : i32 to index
        %get3A_422 = tpu.vector_load %arg19[%get3A_421] {strides = array<i32>} : memref<8192xf32, #tpu.memory_space<vmem>>, vector<16xf32>,
        %get3A_423 = arith.index_cast %mul3A_418 : i32 to index
        %get3A_424 = tpu.vector_load %arg21[%get3A_423] {strides = array<i32>} : memref<8192xf32, #tpu.memory_space<vmem>>, vector<16xf32>,
        %get3A_425 = arith.index_cast %mul3A_418 : i32 to index
        %get3A_426 = tpu.vector_load %arg22[%get3A_425] {strides = array<i32>} : memref<8192xf32, #tpu.memory_space<vmem>>, vector<16xf32>,
        %mul3A_427 = arith.mulf %broadcast_in_dim3A_222, %get3A_420 : vector<16xf32>
        %mul3A_428 = arith.mulf %broadcast_in_dim3A_262, %get3A_422 : vector<16xf32>
        %add3A_429 = arith.addf %mul3A_427, %mul3A_428 : vector<16xf32>
        %sub3A = arith.subf %get3A_424, %add3A_429 : vector<16xf32>
        %min3A = arith.minimumf %scan3A_409, %sub3A : vector<16xf32>
        %sub3A_430 = arith.subf %broadcast_in_dim3A_300, %add3A_429 : vector<16xf32>
        %min3A_431 = arith.minimumf %get3A_426, %sub3A_430 : vector<16xf32>
        %mul3A_432 = arith.mulf %broadcast_in_dim3A_227, %get3A_420 : vector<16xf32>
        %mul3A_433 = arith.mulf %broadcast_in_dim3A_267, %get3A_422 : vector<16xf32>
        %add3A_434 = arith.addf %mul3A_432, %mul3A_433 : vector<16xf32>
        %sub3A_435 = arith.subf %get3A_424, %add3A_434 : vector<16xf32>
        %min3A_436 = arith.minimumf %scan3A_410, %sub3A_435 : vector<16xf32>
        %sub3A_437 = arith.subf %broadcast_in_dim3A_303, %add3A_434 : vector<16xf32>
        %min3A_438 = arith.minimumf %min3A_431, %sub3A_437 : vector<16xf32>
        %mul3A_439 = arith.mulf %broadcast_in_dim3A_232, %get3A_420 : vector<16xf32>
        %mul3A_440 = arith.mulf %broadcast_in_dim3A_272, %get3A_422 : vector<16xf32>
        %add3A_441 = arith.addf %mul3A_439, %mul3A_440 : vector<16xf32>
        %sub3A_442 = arith.subf %get3A_424, %add3A_441 : vector<16xf32>
        %min3A_443 = arith.minimumf %scan3A_411, %sub3A_442 : vector<16xf32>
        %sub3A_444 = arith.subf %broadcast_in_dim3A_306, %add3A_441 : vector<16xf32>
        %min3A_445 = arith.minimumf %min3A_438, %sub3A_444 : vector<16xf32>
        %mul3A_446 = arith.mulf %broadcast_in_dim3A_237, %get3A_420 : vector<16xf32>
        %mul3A_447 = arith.mulf %broadcast_in_dim3A_277, %get3A_422 : vector<16xf32>
        %add3A_448 = arith.addf %mul3A_446, %mul3A_447 : vector<16xf32>
        %sub3A_449 = arith.subf %get3A_424, %add3A_448 : vector<16xf32>
        %min3A_450 = arith.minimumf %scan3A_412, %sub3A_449 : vector<16xf32>
        %sub3A_451 = arith.subf %broadcast_in_dim3A_309, %add3A_448 : vector<16xf32>
        %min3A_452 = arith.minimumf %min3A_445, %sub3A_451 : vector<16xf32>
        %mul3A_453 = arith.mulf %broadcast_in_dim3A_242, %get3A_420 : vector<16xf32>
        %mul3A_454 = arith.mulf %broadcast_in_dim3A_282, %get3A_422 : vector<16xf32>
        %add3A_455 = arith.addf %mul3A_453, %mul3A_454 : vector<16xf32>
        %sub3A_456 = arith.subf %get3A_424, %add3A_455 : vector<16xf32>
        %min3A_457 = arith.minimumf %scan3A_413, %sub3A_456 : vector<16xf32>
        %sub3A_458 = arith.subf %broadcast_in_dim3A_312, %add3A_455 : vector<16xf32>
        %min3A_459 = arith.minimumf %min3A_452, %sub3A_458 : vector<16xf32>
        %mul3A_460 = arith.mulf %broadcast_in_dim3A_247, %get3A_420 : vector<16xf32>
        %mul3A_461 = arith.mulf %broadcast_in_dim3A_287, %get3A_422 : vector<16xf32>
        %add3A_462 = arith.addf %mul3A_460, %mul3A_461 : vector<16xf32>
        %sub3A_463 = arith.subf %get3A_424, %add3A_462 : vector<16xf32>
        %min3A_464 = arith.minimumf %scan3A_414, %sub3A_463 : vector<16xf32>
        %sub3A_465 = arith.subf %broadcast_in_dim3A_315, %add3A_462 : vector<16xf32>
        %min3A_466 = arith.minimumf %min3A_459, %sub3A_465 : vector<16xf32>
        %mul3A_467 = arith.mulf %broadcast_in_dim3A_252, %get3A_420 : vector<16xf32>
        %mul3A_468 = arith.mulf %broadcast_in_dim3A_292, %get3A_422 : vector<16xf32>
        %add3A_469 = arith.addf %mul3A_467, %mul3A_468 : vector<16xf32>
        %sub3A_470 = arith.subf %get3A_424, %add3A_469 : vector<16xf32>
        %min3A_471 = arith.minimumf %scan3A_415, %sub3A_470 : vector<16xf32>
        %sub3A_472 = arith.subf %broadcast_in_dim3A_318, %add3A_469 : vector<16xf32>
        %min3A_473 = arith.minimumf %min3A_466, %sub3A_472 : vector<16xf32>
        %mul3A_474 = arith.mulf %broadcast_in_dim3A_257, %get3A_420 : vector<16xf32>
        %mul3A_475 = arith.mulf %broadcast_in_dim3A_297, %get3A_422 : vector<16xf32>
        %add3A_476 = arith.addf %mul3A_474, %mul3A_475 : vector<16xf32>
        %sub3A_477 = arith.subf %get3A_424, %add3A_476 : vector<16xf32>
        %min3A_478 = arith.minimumf %scan3A_416, %sub3A_477 : vector<16xf32>
        %sub3A_479 = arith.subf %broadcast_in_dim3A_321, %add3A_476 : vector<16xf32>
        %min3A_480 = arith.minimumf %min3A_473, %sub3A_479 : vector<16xf32>
        %swap3A_481 = arith.index_cast %mul3A_418 : i32 to index
        %swap3A_482 = tpu.vector_load %arg22[%swap3A_481] {strides = array<i32>} : memref<8192xf32, #tpu.memory_space<vmem>>, vector<16xf32>,
        tpu.vector_store %arg22[%swap3A_481], %min3A_480 {strides = array<i32>} : memref<8192xf32, #tpu.memory_space<vmem>>, vector<16xf32>,
        %scan3A_483 = arith.constant 1 : i32
        %scan3A_484 = arith.addi %scan3A_408, %scan3A_483 : i32
        %mul3A_485 = arith.constant 16 : i32
        %mul3A_486 = arith.muli %scan3A_484, %mul3A_485 : i32
        %get3A_487 = arith.index_cast %mul3A_486 : i32 to index
        %get3A_488 = tpu.vector_load %arg18[%get3A_487] {strides = array<i32>} : memref<8192xf32, #tpu.memory_space<vmem>>, vector<16xf32>,
        %get3A_489 = arith.index_cast %mul3A_486 : i32 to index
        %get3A_490 = tpu.vector_load %arg19[%get3A_489] {strides = array<i32>} : memref<8192xf32, #tpu.memory_space<vmem>>, vector<16xf32>,
        %get3A_491 = arith.index_cast %mul3A_486 : i32 to index
        %get3A_492 = tpu.vector_load %arg21[%get3A_491] {strides = array<i32>} : memref<8192xf32, #tpu.memory_space<vmem>>, vector<16xf32>,
        %get3A_493 = arith.index_cast %mul3A_486 : i32 to index
        %get3A_494 = tpu.vector_load %arg22[%get3A_493] {strides = array<i32>} : memref<8192xf32, #tpu.memory_space<vmem>>, vector<16xf32>,
        %mul3A_495 = arith.mulf %broadcast_in_dim3A_222, %get3A_488 : vector<16xf32>
        %mul3A_496 = arith.mulf %broadcast_in_dim3A_262, %get3A_490 : vector<16xf32>
        %add3A_497 = arith.addf %mul3A_495, %mul3A_496 : vector<16xf32>
        %sub3A_498 = arith.subf %get3A_492, %add3A_497 : vector<16xf32>
        %min3A_499 = arith.minimumf %min3A, %sub3A_498 : vector<16xf32>
        %sub3A_500 = arith.subf %broadcast_in_dim3A_300, %add3A_497 : vector<16xf32>
        %min3A_501 = arith.minimumf %get3A_494, %sub3A_500 : vector<16xf32>
        %mul3A_502 = arith.mulf %broadcast_in_dim3A_227, %get3A_488 : vector<16xf32>
        %mul3A_503 = arith.mulf %broadcast_in_dim3A_267, %get3A_490 : vector<16xf32>
        %add3A_504 = arith.addf %mul3A_502, %mul3A_503 : vector<16xf32>
        %sub3A_505 = arith.subf %get3A_492, %add3A_504 : vector<16xf32>
        %min3A_506 = arith.minimumf %min3A_436, %sub3A_505 : vector<16xf32>
        %sub3A_507 = arith.subf %broadcast_in_dim3A_303, %add3A_504 : vector<16xf32>
        %min3A_508 = arith.minimumf %min3A_501, %sub3A_507 : vector<16xf32>
        %mul3A_509 = arith.mulf %broadcast_in_dim3A_232, %get3A_488 : vector<16xf32>
        %mul3A_510 = arith.mulf %broadcast_in_dim3A_272, %get3A_490 : vector<16xf32>
        %add3A_511 = arith.addf %mul3A_509, %mul3A_510 : vector<16xf32>
        %sub3A_512 = arith.subf %get3A_492, %add3A_511 : vector<16xf32>
        %min3A_513 = arith.minimumf %min3A_443, %sub3A_512 : vector<16xf32>
        %sub3A_514 = arith.subf %broadcast_in_dim3A_306, %add3A_511 : vector<16xf32>
        %min3A_515 = arith.minimumf %min3A_508, %sub3A_514 : vector<16xf32>
        %mul3A_516 = arith.mulf %broadcast_in_dim3A_237, %get3A_488 : vector<16xf32>
        %mul3A_517 = arith.mulf %broadcast_in_dim3A_277, %get3A_490 : vector<16xf32>
        %add3A_518 = arith.addf %mul3A_516, %mul3A_517 : vector<16xf32>
        %sub3A_519 = arith.subf %get3A_492, %add3A_518 : vector<16xf32>
        %min3A_520 = arith.minimumf %min3A_450, %sub3A_519 : vector<16xf32>
        %sub3A_521 = arith.subf %broadcast_in_dim3A_309, %add3A_518 : vector<16xf32>
        %min3A_522 = arith.minimumf %min3A_515, %sub3A_521 : vector<16xf32>
        %mul3A_523 = arith.mulf %broadcast_in_dim3A_242, %get3A_488 : vector<16xf32>
        %mul3A_524 = arith.mulf %broadcast_in_dim3A_282, %get3A_490 : vector<16xf32>
        %add3A_525 = arith.addf %mul3A_523, %mul3A_524 : vector<16xf32>
        %sub3A_526 = arith.subf %get3A_492, %add3A_525 : vector<16xf32>
        %min3A_527 = arith.minimumf %min3A_457, %sub3A_526 : vector<16xf32>
        %sub3A_528 = arith.subf %broadcast_in_dim3A_312, %add3A_525 : vector<16xf32>
        %min3A_529 = arith.minimumf %min3A_522, %sub3A_528 : vector<16xf32>
        %mul3A_530 = arith.mulf %broadcast_in_dim3A_247, %get3A_488 : vector<16xf32>
        %mul3A_531 = arith.mulf %broadcast_in_dim3A_287, %get3A_490 : vector<16xf32>
        %add3A_532 = arith.addf %mul3A_530, %mul3A_531 : vector<16xf32>
        %sub3A_533 = arith.subf %get3A_492, %add3A_532 : vector<16xf32>
        %min3A_534 = arith.minimumf %min3A_464, %sub3A_533 : vector<16xf32>
        %sub3A_535 = arith.subf %broadcast_in_dim3A_315, %add3A_532 : vector<16xf32>
        %min3A_536 = arith.minimumf %min3A_529, %sub3A_535 : vector<16xf32>
        %mul3A_537 = arith.mulf %broadcast_in_dim3A_252, %get3A_488 : vector<16xf32>
        %mul3A_538 = arith.mulf %broadcast_in_dim3A_292, %get3A_490 : vector<16xf32>
        %add3A_539 = arith.addf %mul3A_537, %mul3A_538 : vector<16xf32>
        %sub3A_540 = arith.subf %get3A_492, %add3A_539 : vector<16xf32>
        %min3A_541 = arith.minimumf %min3A_471, %sub3A_540 : vector<16xf32>
        %sub3A_542 = arith.subf %broadcast_in_dim3A_318, %add3A_539 : vector<16xf32>
        %min3A_543 = arith.minimumf %min3A_536, %sub3A_542 : vector<16xf32>
        %mul3A_544 = arith.mulf %broadcast_in_dim3A_257, %get3A_488 : vector<16xf32>
        %mul3A_545 = arith.mulf %broadcast_in_dim3A_297, %get3A_490 : vector<16xf32>
        %add3A_546 = arith.addf %mul3A_544, %mul3A_545 : vector<16xf32>
        %sub3A_547 = arith.subf %get3A_492, %add3A_546 : vector<16xf32>
        %min3A_548 = arith.minimumf %min3A_478, %sub3A_547 : vector<16xf32>
        %sub3A_549 = arith.subf %broadcast_in_dim3A_321, %add3A_546 : vector<16xf32>
        %min3A_550 = arith.minimumf %min3A_543, %sub3A_549 : vector<16xf32>
        %swap3A_551 = arith.index_cast %mul3A_486 : i32 to index
        %swap3A_552 = tpu.vector_load %arg22[%swap3A_551] {strides = array<i32>} : memref<8192xf32, #tpu.memory_space<vmem>>, vector<16xf32>,
        tpu.vector_store %arg22[%swap3A_551], %min3A_550 {strides = array<i32>} : memref<8192xf32, #tpu.memory_space<vmem>>, vector<16xf32>,
        scf.yield %min3A_499, %min3A_506, %min3A_513, %min3A_520, %min3A_527, %min3A_534, %min3A_541, %min3A_548 : vector<16xf32>, vector<16xf32>, vector<16xf32>, vector<16xf32>, vector<16xf32>, vector<16xf32>, vector<16xf32>, vector<16xf32>
      }
      %scan3A_327 = arith.constant 512 : i32
      %slice3A_328 = vector.extract_strided_slice %get3A_31 {offsets = [8], sizes = [1], strides = [1]} : vector<16xf32> to vector<1xf32>
      %squeeze3A_329 = vector.extract %slice3A_328[0] : f32 from vector<1xf32>
      %reduce_min3A_330 = arith.constant true
      %reduce_min3A_331 = vector.broadcast %reduce_min3A_330 : i1 to vector<16xi1>
      %reduce_min3A_332 = tpu.scan <min>, %scan3A_326#0 masked %reduce_min3A_331 : vector<16xf32>, vector<16xi1> -> vector<16xf32>
      %reduce_min3A_333 = vector.extract %reduce_min3A_332[15] : f32 from vector<16xf32>
      %add3A_334 = arith.addf %squeeze3A_329, %reduce_min3A_333 : f32
      %max3A_335 = arith.constant 0.000000e+00 : f32
      %max3A_336 = arith.maximumf %add3A_334, %max3A_335 : f32
      %add3A_337 = arith.addf %add3A_217, %max3A_336 : f32
      %slice3A_338 = vector.extract_strided_slice %get3A_31 {offsets = [9], sizes = [1], strides = [1]} : vector<16xf32> to vector<1xf32>
      %squeeze3A_339 = vector.extract %slice3A_338[0] : f32 from vector<1xf32>
      %reduce_min3A_340 = arith.constant true
      %reduce_min3A_341 = vector.broadcast %reduce_min3A_340 : i1 to vector<16xi1>
      %reduce_min3A_342 = tpu.scan <min>, %scan3A_326#1 masked %reduce_min3A_341 : vector<16xf32>, vector<16xi1> -> vector<16xf32>
      %reduce_min3A_343 = vector.extract %reduce_min3A_342[15] : f32 from vector<16xf32>
      %add3A_344 = arith.addf %squeeze3A_339, %reduce_min3A_343 : f32
      %max3A_345 = arith.constant 0.000000e+00 : f32
      %max3A_346 = arith.maximumf %add3A_344, %max3A_345 : f32
      %add3A_347 = arith.addf %add3A_337, %max3A_346 : f32
      %slice3A_348 = vector.extract_strided_slice %get3A_31 {offsets = [10], sizes = [1], strides = [1]} : vector<16xf32> to vector<1xf32>
      %squeeze3A_349 = vector.extract %slice3A_348[0] : f32 from vector<1xf32>
      %reduce_min3A_350 = arith.constant true
      %reduce_min3A_351 = vector.broadcast %reduce_min3A_350 : i1 to vector<16xi1>
      %reduce_min3A_352 = tpu.scan <min>, %scan3A_326#2 masked %reduce_min3A_351 : vector<16xf32>, vector<16xi1> -> vector<16xf32>
      %reduce_min3A_353 = vector.extract %reduce_min3A_352[15] : f32 from vector<16xf32>
      %add3A_354 = arith.addf %squeeze3A_349, %reduce_min3A_353 : f32
      %max3A_355 = arith.constant 0.000000e+00 : f32
      %max3A_356 = arith.maximumf %add3A_354, %max3A_355 : f32
      %add3A_357 = arith.addf %add3A_347, %max3A_356 : f32
      %slice3A_358 = vector.extract_strided_slice %get3A_31 {offsets = [11], sizes = [1], strides = [1]} : vector<16xf32> to vector<1xf32>
      %squeeze3A_359 = vector.extract %slice3A_358[0] : f32 from vector<1xf32>
      %reduce_min3A_360 = arith.constant true
      %reduce_min3A_361 = vector.broadcast %reduce_min3A_360 : i1 to vector<16xi1>
      %reduce_min3A_362 = tpu.scan <min>, %scan3A_326#3 masked %reduce_min3A_361 : vector<16xf32>, vector<16xi1> -> vector<16xf32>
      %reduce_min3A_363 = vector.extract %reduce_min3A_362[15] : f32 from vector<16xf32>
      %add3A_364 = arith.addf %squeeze3A_359, %reduce_min3A_363 : f32
      %max3A_365 = arith.constant 0.000000e+00 : f32
      %max3A_366 = arith.maximumf %add3A_364, %max3A_365 : f32
      %add3A_367 = arith.addf %add3A_357, %max3A_366 : f32
      %slice3A_368 = vector.extract_strided_slice %get3A_31 {offsets = [12], sizes = [1], strides = [1]} : vector<16xf32> to vector<1xf32>
      %squeeze3A_369 = vector.extract %slice3A_368[0] : f32 from vector<1xf32>
      %reduce_min3A_370 = arith.constant true
      %reduce_min3A_371 = vector.broadcast %reduce_min3A_370 : i1 to vector<16xi1>
      %reduce_min3A_372 = tpu.scan <min>, %scan3A_326#4 masked %reduce_min3A_371 : vector<16xf32>, vector<16xi1> -> vector<16xf32>
      %reduce_min3A_373 = vector.extract %reduce_min3A_372[15] : f32 from vector<16xf32>
      %add3A_374 = arith.addf %squeeze3A_369, %reduce_min3A_373 : f32
      %max3A_375 = arith.constant 0.000000e+00 : f32
      %max3A_376 = arith.maximumf %add3A_374, %max3A_375 : f32
      %add3A_377 = arith.addf %add3A_367, %max3A_376 : f32
      %slice3A_378 = vector.extract_strided_slice %get3A_31 {offsets = [13], sizes = [1], strides = [1]} : vector<16xf32> to vector<1xf32>
      %squeeze3A_379 = vector.extract %slice3A_378[0] : f32 from vector<1xf32>
      %reduce_min3A_380 = arith.constant true
      %reduce_min3A_381 = vector.broadcast %reduce_min3A_380 : i1 to vector<16xi1>
      %reduce_min3A_382 = tpu.scan <min>, %scan3A_326#5 masked %reduce_min3A_381 : vector<16xf32>, vector<16xi1> -> vector<16xf32>
      %reduce_min3A_383 = vector.extract %reduce_min3A_382[15] : f32 from vector<16xf32>
      %add3A_384 = arith.addf %squeeze3A_379, %reduce_min3A_383 : f32
      %max3A_385 = arith.constant 0.000000e+00 : f32
      %max3A_386 = arith.maximumf %add3A_384, %max3A_385 : f32
      %add3A_387 = arith.addf %add3A_377, %max3A_386 : f32
      %slice3A_388 = vector.extract_strided_slice %get3A_31 {offsets = [14], sizes = [1], strides = [1]} : vector<16xf32> to vector<1xf32>
      %squeeze3A_389 = vector.extract %slice3A_388[0] : f32 from vector<1xf32>
      %reduce_min3A_390 = arith.constant true
      %reduce_min3A_391 = vector.broadcast %reduce_min3A_390 : i1 to vector<16xi1>
      %reduce_min3A_392 = tpu.scan <min>, %scan3A_326#6 masked %reduce_min3A_391 : vector<16xf32>, vector<16xi1> -> vector<16xf32>
      %reduce_min3A_393 = vector.extract %reduce_min3A_392[15] : f32 from vector<16xf32>
      %add3A_394 = arith.addf %squeeze3A_389, %reduce_min3A_393 : f32
      %max3A_395 = arith.constant 0.000000e+00 : f32
      %max3A_396 = arith.maximumf %add3A_394, %max3A_395 : f32
      %add3A_397 = arith.addf %add3A_387, %max3A_396 : f32
      %slice3A_398 = vector.extract_strided_slice %get3A_31 {offsets = [15], sizes = [1], strides = [1]} : vector<16xf32> to vector<1xf32>
      %squeeze3A_399 = vector.extract %slice3A_398[0] : f32 from vector<1xf32>
      %reduce_min3A_400 = arith.constant true
      %reduce_min3A_401 = vector.broadcast %reduce_min3A_400 : i1 to vector<16xi1>
      %reduce_min3A_402 = tpu.scan <min>, %scan3A_326#7 masked %reduce_min3A_401 : vector<16xf32>, vector<16xi1> -> vector<16xf32>
      %reduce_min3A_403 = vector.extract %reduce_min3A_402[15] : f32 from vector<16xf32>
      %add3A_404 = arith.addf %squeeze3A_399, %reduce_min3A_403 : f32
      %max3A_405 = arith.constant 0.000000e+00 : f32
      %max3A_406 = arith.maximumf %add3A_404, %max3A_405 : f32
      %add3A_407 = arith.addf %add3A_397, %max3A_406 : f32
      scf.yield %add3A_407 : f32
    }
    %scan3A_15 = arith.constant 16 : i32
    %iota3A = tpu.iota {dimensions = array<i32: 0>} : vector<16xi32>
    %eq3A = arith.constant 0 : i32
    %eq3A_16 = vector.broadcast %eq3A : i32 to vector<16xi32>
    %eq3A_17 = arith.cmpi eq, %iota3A, %eq3A_16 : vector<16xi32>
    %broadcast_in_dim3A_18 = vector.broadcast %scan3A_14 : f32 to vector<16xf32>
    %broadcast_in_dim3A_19 = arith.constant 0.000000e+00 : f32
    %broadcast_in_dim3A_20 = vector.broadcast %broadcast_in_dim3A_19 : f32 to vector<16xf32>
    %select_n3A = arith.select %eq3A_17, %broadcast_in_dim3A_18, %broadcast_in_dim3A_20 : vector<16xi1>, vector<16xf32>
    %swap3A = arith.constant 0 : index
    %swap3A_21 = tpu.vector_load %arg23[%swap3A] {strides = array<i32>} : memref<16xf32, #tpu.memory_space<vmem>>, vector<16xf32>,
    tpu.vector_store %arg23[%swap3A], %select_n3A {strides = array<i32>} : memref<16xf32, #tpu.memory_space<vmem>>, vector<16xf32>,
    "tpu.region"() ({
      %run_scoped3A = tpu.sem_alloc : memref<!tpu.dma_semaphore, #tpu.memory_space<semaphore_mem>>
      %dma_start3A = arith.constant 0 : i32
      %dma_start3A_22 = tpu.memref_slice %arg10[%add3A, %dma_start3A] : memref<32x16xf32, #tpu.memory_space<hbm>> -> memref<1x16xf32, #tpu.memory_space<hbm>>
      %dma_start3A_23 = tpu.memref_squeeze %dma_start3A_22 : memref<1x16xf32, #tpu.memory_space<hbm>> -> memref<16xf32, #tpu.memory_space<hbm>>
      %dma_start3A_24 = arith.constant 0 : i32
      %dma_start3A_25 = tpu.memref_slice %arg10[%add3A, %dma_start3A_24] : memref<32x16xf32, #tpu.memory_space<hbm>> -> memref<1x16xf32, #tpu.memory_space<hbm>>
      %dma_start3A_26 = tpu.memref_squeeze %dma_start3A_25 : memref<1x16xf32, #tpu.memory_space<hbm>> -> memref<16xf32, #tpu.memory_space<hbm>>
      tpu.enqueue_dma source(%arg23 : memref<16xf32, #tpu.memory_space<vmem>>) target(%dma_start3A_26 : memref<16xf32, #tpu.memory_space<hbm>>) target_semaphore(%run_scoped3A : memref<!tpu.dma_semaphore, #tpu.memory_space<semaphore_mem>>)
      %dma_wait3A = arith.constant 0 : i32
      %dma_wait3A_27 = tpu.memref_slice %arg10[%add3A, %dma_wait3A] : memref<32x16xf32, #tpu.memory_space<hbm>> -> memref<1x16xf32, #tpu.memory_space<hbm>>
      %dma_wait3A_28 = tpu.memref_squeeze %dma_wait3A_27 : memref<1x16xf32, #tpu.memory_space<hbm>> -> memref<16xf32, #tpu.memory_space<hbm>>
      %dma_wait3A_29 = arith.constant 0 : i32
      %dma_wait3A_30 = tpu.memref_slice %arg10[%add3A, %dma_wait3A_29] : memref<32x16xf32, #tpu.memory_space<hbm>> -> memref<1x16xf32, #tpu.memory_space<hbm>>
      %dma_wait3A_31 = tpu.memref_squeeze %dma_wait3A_30 : memref<1x16xf32, #tpu.memory_space<hbm>> -> memref<16xf32, #tpu.memory_space<hbm>>
      tpu.wait_dma2 semaphore(%run_scoped3A : memref<!tpu.dma_semaphore, #tpu.memory_space<semaphore_mem>>) src(%arg23 : memref<16xf32, #tpu.memory_space<vmem>>) dst(%dma_wait3A_31 : memref<16xf32, #tpu.memory_space<hbm>>)
      tpu.yield
    }) : () -> ()
    "tpu.region"() ({
      %run_scoped3A = tpu.sem_alloc : memref<!tpu.dma_semaphore, #tpu.memory_space<semaphore_mem>>
      %dma_start3A = arith.constant 0 : i32
      %dma_start3A_22 = tpu.memref_slice %arg11[%add3A, %dma_start3A] : memref<32x8192xf32, #tpu.memory_space<hbm>> -> memref<1x8192xf32, #tpu.memory_space<hbm>>
      %dma_start3A_23 = tpu.memref_squeeze %dma_start3A_22 : memref<1x8192xf32, #tpu.memory_space<hbm>> -> memref<8192xf32, #tpu.memory_space<hbm>>
      %dma_start3A_24 = arith.constant 0 : i32
      %dma_start3A_25 = tpu.memref_slice %arg11[%add3A, %dma_start3A_24] : memref<32x8192xf32, #tpu.memory_space<hbm>> -> memref<1x8192xf32, #tpu.memory_space<hbm>>
      %dma_start3A_26 = tpu.memref_squeeze %dma_start3A_25 : memref<1x8192xf32, #tpu.memory_space<hbm>> -> memref<8192xf32, #tpu.memory_space<hbm>>
      tpu.enqueue_dma source(%arg22 : memref<8192xf32, #tpu.memory_space<vmem>>) target(%dma_start3A_26 : memref<8192xf32, #tpu.memory_space<hbm>>) target_semaphore(%run_scoped3A : memref<!tpu.dma_semaphore, #tpu.memory_space<semaphore_mem>>)
      %dma_wait3A = arith.constant 0 : i32
      %dma_wait3A_27 = tpu.memref_slice %arg11[%add3A, %dma_wait3A] : memref<32x8192xf32, #tpu.memory_space<hbm>> -> memref<1x8192xf32, #tpu.memory_space<hbm>>
      %dma_wait3A_28 = tpu.memref_squeeze %dma_wait3A_27 : memref<1x8192xf32, #tpu.memory_space<hbm>> -> memref<8192xf32, #tpu.memory_space<hbm>>
      %dma_wait3A_29 = arith.constant 0 : i32
      %dma_wait3A_30 = tpu.memref_slice %arg11[%add3A, %dma_wait3A_29] : memref<32x8192xf32, #tpu.memory_space<hbm>> -> memref<1x8192xf32, #tpu.memory_space<hbm>>
      %dma_wait3A_31 = tpu.memref_squeeze %dma_wait3A_30 : memref<1x8192xf32, #tpu.memory_space<hbm>> -> memref<8192xf32, #tpu.memory_space<hbm>>
      tpu.wait_dma2 semaphore(%run_scoped3A : memref<!tpu.dma_semaphore, #tpu.memory_space<semaphore_mem>>) src(%arg22 : memref<8192xf32, #tpu.memory_space<vmem>>) dst(%dma_wait3A_31 : memref<8192xf32, #tpu.memory_space<hbm>>)
      tpu.yield
    }) : () -> ()
    return
  }
}

#map = affine_map<(d0, d1) -> (0)>
#map1 = affine_map<(d0, d1) -> (0, 0)>
module attributes {stable_mosaic.version = 14 : i64} {
  func.func @_chamfer_combine(%arg0: i32, %arg1: i32, %arg2: memref<8192xf32, #tpu.memory_space<hbm>>, %arg3: memref<8192xf32, #tpu.memory_space<hbm>>, %arg4: memref<32x8192xf32, #tpu.memory_space<hbm>>, %arg5: memref<32x16xf32, #tpu.memory_space<hbm>>, %arg6: memref<32x256xf32, #tpu.memory_space<vmem>>, %arg7: memref<256xf32, #tpu.memory_space<vmem>>, %arg8: memref<256xf32, #tpu.memory_space<vmem>>, %arg9: memref<16xf32, #tpu.memory_space<vmem>>) attributes {dimension_semantics = [#tpu.dimension_semantics<core_parallel>, #tpu.dimension_semantics<subcore_parallel>], iteration_bounds = array<i64: 2, 16>, scalar_prefetch = 0 : i64, scratch_operands = 4 : i64, tpu.core_type = #tpu.core_type<sc_vector_subcore>, window_params = [{transform_indices = #map}, {transform_indices = #map}, {transform_indices = #map1}, {transform_indices = #map1}]} {
    %mul3A = arith.constant 2 : i32
    %mul3A_0 = arith.muli %arg1, %mul3A : i32
    %add3A = arith.addi %mul3A_0, %arg0 : i32
    %mul3A_1 = arith.constant 256 : i32
    %mul3A_2 = arith.muli %add3A, %mul3A_1 : i32
    "tpu.region"() ({
      %run_scoped3A = tpu.sem_alloc : memref<!tpu.dma_semaphore, #tpu.memory_space<semaphore_mem>>
      %dma_start3A = arith.constant 0 : i32
      %dma_start3A_18 = tpu.memref_slice %arg4[%dma_start3A, %mul3A_2] : memref<32x8192xf32, #tpu.memory_space<hbm>> -> memref<32x256xf32, #tpu.memory_space<hbm>>
      %dma_start3A_19 = arith.constant 0 : i32
      %dma_start3A_20 = tpu.memref_slice %arg4[%dma_start3A_19, %mul3A_2] : memref<32x8192xf32, #tpu.memory_space<hbm>> -> memref<32x256xf32, #tpu.memory_space<hbm>>
      tpu.enqueue_dma source(%dma_start3A_20 : memref<32x256xf32, #tpu.memory_space<hbm>>) target(%arg6 : memref<32x256xf32, #tpu.memory_space<vmem>>) target_semaphore(%run_scoped3A : memref<!tpu.dma_semaphore, #tpu.memory_space<semaphore_mem>>)
      %dma_wait3A = arith.constant 0 : i32
      %dma_wait3A_21 = tpu.memref_slice %arg4[%dma_wait3A, %mul3A_2] : memref<32x8192xf32, #tpu.memory_space<hbm>> -> memref<32x256xf32, #tpu.memory_space<hbm>>
      %dma_wait3A_22 = arith.constant 0 : i32
      %dma_wait3A_23 = tpu.memref_slice %arg4[%dma_wait3A_22, %mul3A_2] : memref<32x8192xf32, #tpu.memory_space<hbm>> -> memref<32x256xf32, #tpu.memory_space<hbm>>
      tpu.wait_dma2 semaphore(%run_scoped3A : memref<!tpu.dma_semaphore, #tpu.memory_space<semaphore_mem>>) src(%dma_wait3A_23 : memref<32x256xf32, #tpu.memory_space<hbm>>) dst(%arg6 : memref<32x256xf32, #tpu.memory_space<vmem>>)
      tpu.yield
    }) : () -> ()
    "tpu.region"() ({
      %run_scoped3A = tpu.sem_alloc : memref<!tpu.dma_semaphore, #tpu.memory_space<semaphore_mem>>
      %dma_start3A = tpu.memref_slice %arg2[%mul3A_2] : memref<8192xf32, #tpu.memory_space<hbm>> -> memref<256xf32, #tpu.memory_space<hbm>>
      %dma_start3A_18 = tpu.memref_slice %arg2[%mul3A_2] : memref<8192xf32, #tpu.memory_space<hbm>> -> memref<256xf32, #tpu.memory_space<hbm>>
      tpu.enqueue_dma source(%dma_start3A_18 : memref<256xf32, #tpu.memory_space<hbm>>) target(%arg7 : memref<256xf32, #tpu.memory_space<vmem>>) target_semaphore(%run_scoped3A : memref<!tpu.dma_semaphore, #tpu.memory_space<semaphore_mem>>)
      %dma_wait3A = tpu.memref_slice %arg2[%mul3A_2] : memref<8192xf32, #tpu.memory_space<hbm>> -> memref<256xf32, #tpu.memory_space<hbm>>
      %dma_wait3A_19 = tpu.memref_slice %arg2[%mul3A_2] : memref<8192xf32, #tpu.memory_space<hbm>> -> memref<256xf32, #tpu.memory_space<hbm>>
      tpu.wait_dma2 semaphore(%run_scoped3A : memref<!tpu.dma_semaphore, #tpu.memory_space<semaphore_mem>>) src(%dma_wait3A_19 : memref<256xf32, #tpu.memory_space<hbm>>) dst(%arg7 : memref<256xf32, #tpu.memory_space<vmem>>)
      tpu.yield
    }) : () -> ()
    "tpu.region"() ({
      %run_scoped3A = tpu.sem_alloc : memref<!tpu.dma_semaphore, #tpu.memory_space<semaphore_mem>>
      %dma_start3A = tpu.memref_slice %arg3[%mul3A_2] : memref<8192xf32, #tpu.memory_space<hbm>> -> memref<256xf32, #tpu.memory_space<hbm>>
      %dma_start3A_18 = tpu.memref_slice %arg3[%mul3A_2] : memref<8192xf32, #tpu.memory_space<hbm>> -> memref<256xf32, #tpu.memory_space<hbm>>
      tpu.enqueue_dma source(%dma_start3A_18 : memref<256xf32, #tpu.memory_space<hbm>>) target(%arg8 : memref<256xf32, #tpu.memory_space<vmem>>) target_semaphore(%run_scoped3A : memref<!tpu.dma_semaphore, #tpu.memory_space<semaphore_mem>>)
      %dma_wait3A = tpu.memref_slice %arg3[%mul3A_2] : memref<8192xf32, #tpu.memory_space<hbm>> -> memref<256xf32, #tpu.memory_space<hbm>>
      %dma_wait3A_19 = tpu.memref_slice %arg3[%mul3A_2] : memref<8192xf32, #tpu.memory_space<hbm>> -> memref<256xf32, #tpu.memory_space<hbm>>
      tpu.wait_dma2 semaphore(%run_scoped3A : memref<!tpu.dma_semaphore, #tpu.memory_space<semaphore_mem>>) src(%dma_wait3A_19 : memref<256xf32, #tpu.memory_space<hbm>>) dst(%arg8 : memref<256xf32, #tpu.memory_space<vmem>>)
      tpu.yield
    }) : () -> ()
    %broadcast_in_dim3A = arith.constant 0.000000e+00 : f32
    %broadcast_in_dim3A_3 = vector.broadcast %broadcast_in_dim3A : f32 to vector<16xf32>
    %scan3A = arith.constant 0 : i32
    %scan3A_4 = arith.constant 16 : i32
    %scan3A_5 = arith.addi %scan3A, %scan3A_4 : i32
    %scan3A_6 = arith.constant 1 : i32
    %scan3A_7 = scf.for %scan3A_18 = %scan3A to %scan3A_5 step %scan3A_6 iter_args(%scan3A_19 = %broadcast_in_dim3A_3) -> (vector<16xf32>)  : i32 {
      %mul3A_20 = arith.constant 16 : i32
      %mul3A_21 = arith.muli %scan3A_18, %mul3A_20 : i32
      %broadcast_in_dim3A_22 = arith.constant 0x7F800000 : f32
      %broadcast_in_dim3A_23 = vector.broadcast %broadcast_in_dim3A_22 : f32 to vector<16xf32>
      %get3A = arith.constant 0 : i32
      %get3A_24 = arith.index_cast %get3A : i32 to index
      %get3A_25 = arith.index_cast %mul3A_21 : i32 to index
      %get3A_26 = tpu.vector_load %arg6[%get3A_24, %get3A_25] {strides = array<i32>} : memref<32x256xf32, #tpu.memory_space<vmem>>, vector<16xf32>,
      %min3A = arith.minimumf %broadcast_in_dim3A_23, %get3A_26 : vector<16xf32>
      %get3A_27 = arith.constant 1 : i32
      %get3A_28 = arith.index_cast %get3A_27 : i32 to index
      %get3A_29 = arith.index_cast %mul3A_21 : i32 to index
      %get3A_30 = tpu.vector_load %arg6[%get3A_28, %get3A_29] {strides = array<i32>} : memref<32x256xf32, #tpu.memory_space<vmem>>, vector<16xf32>,
      %min3A_31 = arith.minimumf %min3A, %get3A_30 : vector<16xf32>
      %get3A_32 = arith.constant 2 : i32
      %get3A_33 = arith.index_cast %get3A_32 : i32 to index
      %get3A_34 = arith.index_cast %mul3A_21 : i32 to index
      %get3A_35 = tpu.vector_load %arg6[%get3A_33, %get3A_34] {strides = array<i32>} : memref<32x256xf32, #tpu.memory_space<vmem>>, vector<16xf32>,
      %min3A_36 = arith.minimumf %min3A_31, %get3A_35 : vector<16xf32>
      %get3A_37 = arith.constant 3 : i32
      %get3A_38 = arith.index_cast %get3A_37 : i32 to index
      %get3A_39 = arith.index_cast %mul3A_21 : i32 to index
      %get3A_40 = tpu.vector_load %arg6[%get3A_38, %get3A_39] {strides = array<i32>} : memref<32x256xf32, #tpu.memory_space<vmem>>, vector<16xf32>,
      %min3A_41 = arith.minimumf %min3A_36, %get3A_40 : vector<16xf32>
      %get3A_42 = arith.constant 4 : i32
      %get3A_43 = arith.index_cast %get3A_42 : i32 to index
      %get3A_44 = arith.index_cast %mul3A_21 : i32 to index
      %get3A_45 = tpu.vector_load %arg6[%get3A_43, %get3A_44] {strides = array<i32>} : memref<32x256xf32, #tpu.memory_space<vmem>>, vector<16xf32>,
      %min3A_46 = arith.minimumf %min3A_41, %get3A_45 : vector<16xf32>
      %get3A_47 = arith.constant 5 : i32
      %get3A_48 = arith.index_cast %get3A_47 : i32 to index
      %get3A_49 = arith.index_cast %mul3A_21 : i32 to index
      %get3A_50 = tpu.vector_load %arg6[%get3A_48, %get3A_49] {strides = array<i32>} : memref<32x256xf32, #tpu.memory_space<vmem>>, vector<16xf32>,
      %min3A_51 = arith.minimumf %min3A_46, %get3A_50 : vector<16xf32>
      %get3A_52 = arith.constant 6 : i32
      %get3A_53 = arith.index_cast %get3A_52 : i32 to index
      %get3A_54 = arith.index_cast %mul3A_21 : i32 to index
      %get3A_55 = tpu.vector_load %arg6[%get3A_53, %get3A_54] {strides = array<i32>} : memref<32x256xf32, #tpu.memory_space<vmem>>, vector<16xf32>,
      %min3A_56 = arith.minimumf %min3A_51, %get3A_55 : vector<16xf32>
      %get3A_57 = arith.constant 7 : i32
      %get3A_58 = arith.index_cast %get3A_57 : i32 to index
      %get3A_59 = arith.index_cast %mul3A_21 : i32 to index
      %get3A_60 = tpu.vector_load %arg6[%get3A_58, %get3A_59] {strides = array<i32>} : memref<32x256xf32, #tpu.memory_space<vmem>>, vector<16xf32>,
      %min3A_61 = arith.minimumf %min3A_56, %get3A_60 : vector<16xf32>
      %get3A_62 = arith.constant 8 : i32
      %get3A_63 = arith.index_cast %get3A_62 : i32 to index
      %get3A_64 = arith.index_cast %mul3A_21 : i32 to index
      %get3A_65 = tpu.vector_load %arg6[%get3A_63, %get3A_64] {strides = array<i32>} : memref<32x256xf32, #tpu.memory_space<vmem>>, vector<16xf32>,
      %min3A_66 = arith.minimumf %min3A_61, %get3A_65 : vector<16xf32>
      %get3A_67 = arith.constant 9 : i32
      %get3A_68 = arith.index_cast %get3A_67 : i32 to index
      %get3A_69 = arith.index_cast %mul3A_21 : i32 to index
      %get3A_70 = tpu.vector_load %arg6[%get3A_68, %get3A_69] {strides = array<i32>} : memref<32x256xf32, #tpu.memory_space<vmem>>, vector<16xf32>,
      %min3A_71 = arith.minimumf %min3A_66, %get3A_70 : vector<16xf32>
      %get3A_72 = arith.constant 10 : i32
      %get3A_73 = arith.index_cast %get3A_72 : i32 to index
      %get3A_74 = arith.index_cast %mul3A_21 : i32 to index
      %get3A_75 = tpu.vector_load %arg6[%get3A_73, %get3A_74] {strides = array<i32>} : memref<32x256xf32, #tpu.memory_space<vmem>>, vector<16xf32>,
      %min3A_76 = arith.minimumf %min3A_71, %get3A_75 : vector<16xf32>
      %get3A_77 = arith.constant 11 : i32
      %get3A_78 = arith.index_cast %get3A_77 : i32 to index
      %get3A_79 = arith.index_cast %mul3A_21 : i32 to index
      %get3A_80 = tpu.vector_load %arg6[%get3A_78, %get3A_79] {strides = array<i32>} : memref<32x256xf32, #tpu.memory_space<vmem>>, vector<16xf32>,
      %min3A_81 = arith.minimumf %min3A_76, %get3A_80 : vector<16xf32>
      %get3A_82 = arith.constant 12 : i32
      %get3A_83 = arith.index_cast %get3A_82 : i32 to index
      %get3A_84 = arith.index_cast %mul3A_21 : i32 to index
      %get3A_85 = tpu.vector_load %arg6[%get3A_83, %get3A_84] {strides = array<i32>} : memref<32x256xf32, #tpu.memory_space<vmem>>, vector<16xf32>,
      %min3A_86 = arith.minimumf %min3A_81, %get3A_85 : vector<16xf32>
      %get3A_87 = arith.constant 13 : i32
      %get3A_88 = arith.index_cast %get3A_87 : i32 to index
      %get3A_89 = arith.index_cast %mul3A_21 : i32 to index
      %get3A_90 = tpu.vector_load %arg6[%get3A_88, %get3A_89] {strides = array<i32>} : memref<32x256xf32, #tpu.memory_space<vmem>>, vector<16xf32>,
      %min3A_91 = arith.minimumf %min3A_86, %get3A_90 : vector<16xf32>
      %get3A_92 = arith.constant 14 : i32
      %get3A_93 = arith.index_cast %get3A_92 : i32 to index
      %get3A_94 = arith.index_cast %mul3A_21 : i32 to index
      %get3A_95 = tpu.vector_load %arg6[%get3A_93, %get3A_94] {strides = array<i32>} : memref<32x256xf32, #tpu.memory_space<vmem>>, vector<16xf32>,
      %min3A_96 = arith.minimumf %min3A_91, %get3A_95 : vector<16xf32>
      %get3A_97 = arith.constant 15 : i32
      %get3A_98 = arith.index_cast %get3A_97 : i32 to index
      %get3A_99 = arith.index_cast %mul3A_21 : i32 to index
      %get3A_100 = tpu.vector_load %arg6[%get3A_98, %get3A_99] {strides = array<i32>} : memref<32x256xf32, #tpu.memory_space<vmem>>, vector<16xf32>,
      %min3A_101 = arith.minimumf %min3A_96, %get3A_100 : vector<16xf32>
      %get3A_102 = arith.constant 16 : i32
      %get3A_103 = arith.index_cast %get3A_102 : i32 to index
      %get3A_104 = arith.index_cast %mul3A_21 : i32 to index
      %get3A_105 = tpu.vector_load %arg6[%get3A_103, %get3A_104] {strides = array<i32>} : memref<32x256xf32, #tpu.memory_space<vmem>>, vector<16xf32>,
      %min3A_106 = arith.minimumf %min3A_101, %get3A_105 : vector<16xf32>
      %get3A_107 = arith.constant 17 : i32
      %get3A_108 = arith.index_cast %get3A_107 : i32 to index
      %get3A_109 = arith.index_cast %mul3A_21 : i32 to index
      %get3A_110 = tpu.vector_load %arg6[%get3A_108, %get3A_109] {strides = array<i32>} : memref<32x256xf32, #tpu.memory_space<vmem>>, vector<16xf32>,
      %min3A_111 = arith.minimumf %min3A_106, %get3A_110 : vector<16xf32>
      %get3A_112 = arith.constant 18 : i32
      %get3A_113 = arith.index_cast %get3A_112 : i32 to index
      %get3A_114 = arith.index_cast %mul3A_21 : i32 to index
      %get3A_115 = tpu.vector_load %arg6[%get3A_113, %get3A_114] {strides = array<i32>} : memref<32x256xf32, #tpu.memory_space<vmem>>, vector<16xf32>,
      %min3A_116 = arith.minimumf %min3A_111, %get3A_115 : vector<16xf32>
      %get3A_117 = arith.constant 19 : i32
      %get3A_118 = arith.index_cast %get3A_117 : i32 to index
      %get3A_119 = arith.index_cast %mul3A_21 : i32 to index
      %get3A_120 = tpu.vector_load %arg6[%get3A_118, %get3A_119] {strides = array<i32>} : memref<32x256xf32, #tpu.memory_space<vmem>>, vector<16xf32>,
      %min3A_121 = arith.minimumf %min3A_116, %get3A_120 : vector<16xf32>
      %get3A_122 = arith.constant 20 : i32
      %get3A_123 = arith.index_cast %get3A_122 : i32 to index
      %get3A_124 = arith.index_cast %mul3A_21 : i32 to index
      %get3A_125 = tpu.vector_load %arg6[%get3A_123, %get3A_124] {strides = array<i32>} : memref<32x256xf32, #tpu.memory_space<vmem>>, vector<16xf32>,
      %min3A_126 = arith.minimumf %min3A_121, %get3A_125 : vector<16xf32>
      %get3A_127 = arith.constant 21 : i32
      %get3A_128 = arith.index_cast %get3A_127 : i32 to index
      %get3A_129 = arith.index_cast %mul3A_21 : i32 to index
      %get3A_130 = tpu.vector_load %arg6[%get3A_128, %get3A_129] {strides = array<i32>} : memref<32x256xf32, #tpu.memory_space<vmem>>, vector<16xf32>,
      %min3A_131 = arith.minimumf %min3A_126, %get3A_130 : vector<16xf32>
      %get3A_132 = arith.constant 22 : i32
      %get3A_133 = arith.index_cast %get3A_132 : i32 to index
      %get3A_134 = arith.index_cast %mul3A_21 : i32 to index
      %get3A_135 = tpu.vector_load %arg6[%get3A_133, %get3A_134] {strides = array<i32>} : memref<32x256xf32, #tpu.memory_space<vmem>>, vector<16xf32>,
      %min3A_136 = arith.minimumf %min3A_131, %get3A_135 : vector<16xf32>
      %get3A_137 = arith.constant 23 : i32
      %get3A_138 = arith.index_cast %get3A_137 : i32 to index
      %get3A_139 = arith.index_cast %mul3A_21 : i32 to index
      %get3A_140 = tpu.vector_load %arg6[%get3A_138, %get3A_139] {strides = array<i32>} : memref<32x256xf32, #tpu.memory_space<vmem>>, vector<16xf32>,
      %min3A_141 = arith.minimumf %min3A_136, %get3A_140 : vector<16xf32>
      %get3A_142 = arith.constant 24 : i32
      %get3A_143 = arith.index_cast %get3A_142 : i32 to index
      %get3A_144 = arith.index_cast %mul3A_21 : i32 to index
      %get3A_145 = tpu.vector_load %arg6[%get3A_143, %get3A_144] {strides = array<i32>} : memref<32x256xf32, #tpu.memory_space<vmem>>, vector<16xf32>,
      %min3A_146 = arith.minimumf %min3A_141, %get3A_145 : vector<16xf32>
      %get3A_147 = arith.constant 25 : i32
      %get3A_148 = arith.index_cast %get3A_147 : i32 to index
      %get3A_149 = arith.index_cast %mul3A_21 : i32 to index
      %get3A_150 = tpu.vector_load %arg6[%get3A_148, %get3A_149] {strides = array<i32>} : memref<32x256xf32, #tpu.memory_space<vmem>>, vector<16xf32>,
      %min3A_151 = arith.minimumf %min3A_146, %get3A_150 : vector<16xf32>
      %get3A_152 = arith.constant 26 : i32
      %get3A_153 = arith.index_cast %get3A_152 : i32 to index
      %get3A_154 = arith.index_cast %mul3A_21 : i32 to index
      %get3A_155 = tpu.vector_load %arg6[%get3A_153, %get3A_154] {strides = array<i32>} : memref<32x256xf32, #tpu.memory_space<vmem>>, vector<16xf32>,
      %min3A_156 = arith.minimumf %min3A_151, %get3A_155 : vector<16xf32>
      %get3A_157 = arith.constant 27 : i32
      %get3A_158 = arith.index_cast %get3A_157 : i32 to index
      %get3A_159 = arith.index_cast %mul3A_21 : i32 to index
      %get3A_160 = tpu.vector_load %arg6[%get3A_158, %get3A_159] {strides = array<i32>} : memref<32x256xf32, #tpu.memory_space<vmem>>, vector<16xf32>,
      %min3A_161 = arith.minimumf %min3A_156, %get3A_160 : vector<16xf32>
      %get3A_162 = arith.constant 28 : i32
      %get3A_163 = arith.index_cast %get3A_162 : i32 to index
      %get3A_164 = arith.index_cast %mul3A_21 : i32 to index
      %get3A_165 = tpu.vector_load %arg6[%get3A_163, %get3A_164] {strides = array<i32>} : memref<32x256xf32, #tpu.memory_space<vmem>>, vector<16xf32>,
      %min3A_166 = arith.minimumf %min3A_161, %get3A_165 : vector<16xf32>
      %get3A_167 = arith.constant 29 : i32
      %get3A_168 = arith.index_cast %get3A_167 : i32 to index
      %get3A_169 = arith.index_cast %mul3A_21 : i32 to index
      %get3A_170 = tpu.vector_load %arg6[%get3A_168, %get3A_169] {strides = array<i32>} : memref<32x256xf32, #tpu.memory_space<vmem>>, vector<16xf32>,
      %min3A_171 = arith.minimumf %min3A_166, %get3A_170 : vector<16xf32>
      %get3A_172 = arith.constant 30 : i32
      %get3A_173 = arith.index_cast %get3A_172 : i32 to index
      %get3A_174 = arith.index_cast %mul3A_21 : i32 to index
      %get3A_175 = tpu.vector_load %arg6[%get3A_173, %get3A_174] {strides = array<i32>} : memref<32x256xf32, #tpu.memory_space<vmem>>, vector<16xf32>,
      %min3A_176 = arith.minimumf %min3A_171, %get3A_175 : vector<16xf32>
      %get3A_177 = arith.constant 31 : i32
      %get3A_178 = arith.index_cast %get3A_177 : i32 to index
      %get3A_179 = arith.index_cast %mul3A_21 : i32 to index
      %get3A_180 = tpu.vector_load %arg6[%get3A_178, %get3A_179] {strides = array<i32>} : memref<32x256xf32, #tpu.memory_space<vmem>>, vector<16xf32>,
      %min3A_181 = arith.minimumf %min3A_176, %get3A_180 : vector<16xf32>
      %get3A_182 = arith.index_cast %mul3A_21 : i32 to index
      %get3A_183 = tpu.vector_load %arg8[%get3A_182] {strides = array<i32>} : memref<256xf32, #tpu.memory_space<vmem>>, vector<16xf32>,
      %get3A_184 = arith.index_cast %mul3A_21 : i32 to index
      %get3A_185 = tpu.vector_load %arg8[%get3A_184] {strides = array<i32>} : memref<256xf32, #tpu.memory_space<vmem>>, vector<16xf32>,
      %mul3A_186 = arith.mulf %get3A_183, %get3A_185 : vector<16xf32>
      %get3A_187 = arith.index_cast %mul3A_21 : i32 to index
      %get3A_188 = tpu.vector_load %arg7[%get3A_187] {strides = array<i32>} : memref<256xf32, #tpu.memory_space<vmem>>, vector<16xf32>,
      %get3A_189 = arith.index_cast %mul3A_21 : i32 to index
      %get3A_190 = tpu.vector_load %arg7[%get3A_189] {strides = array<i32>} : memref<256xf32, #tpu.memory_space<vmem>>, vector<16xf32>,
      %mul3A_191 = arith.mulf %get3A_188, %get3A_190 : vector<16xf32>
      %add3A_192 = arith.addf %mul3A_191, %mul3A_186 : vector<16xf32>
      %add3A_193 = arith.addf %add3A_192, %min3A_181 : vector<16xf32>
      %max3A = arith.constant 0.000000e+00 : f32
      %max3A_194 = vector.broadcast %max3A : f32 to vector<16xf32>
      %max3A_195 = arith.maximumf %add3A_193, %max3A_194 : vector<16xf32>
      %add3A_196 = arith.addf %scan3A_19, %max3A_195 : vector<16xf32>
      scf.yield %add3A_196 : vector<16xf32>
    }
    %scan3A_8 = arith.constant 16 : i32
    %reduce_sum3A = arith.constant true
    %reduce_sum3A_9 = vector.broadcast %reduce_sum3A : i1 to vector<16xi1>
    %reduce_sum3A_10 = tpu.scan <sum>, %scan3A_7 masked %reduce_sum3A_9 : vector<16xf32>, vector<16xi1> -> vector<16xf32>
    %reduce_sum3A_11 = vector.extract %reduce_sum3A_10[15] : f32 from vector<16xf32>
    %iota3A = tpu.iota {dimensions = array<i32: 0>} : vector<16xi32>
    %eq3A = arith.constant 0 : i32
    %eq3A_12 = vector.broadcast %eq3A : i32 to vector<16xi32>
    %eq3A_13 = arith.cmpi eq, %iota3A, %eq3A_12 : vector<16xi32>
    %broadcast_in_dim3A_14 = vector.broadcast %reduce_sum3A_11 : f32 to vector<16xf32>
    %broadcast_in_dim3A_15 = arith.constant 0.000000e+00 : f32
    %broadcast_in_dim3A_16 = vector.broadcast %broadcast_in_dim3A_15 : f32 to vector<16xf32>
    %select_n3A = arith.select %eq3A_13, %broadcast_in_dim3A_14, %broadcast_in_dim3A_16 : vector<16xi1>, vector<16xf32>
    %swap3A = arith.constant 0 : index
    %swap3A_17 = tpu.vector_load %arg9[%swap3A] {strides = array<i32>} : memref<16xf32, #tpu.memory_space<vmem>>, vector<16xf32>,
    tpu.vector_store %arg9[%swap3A], %select_n3A {strides = array<i32>} : memref<16xf32, #tpu.memory_space<vmem>>, vector<16xf32>,
    "tpu.region"() ({
      %run_scoped3A = tpu.sem_alloc : memref<!tpu.dma_semaphore, #tpu.memory_space<semaphore_mem>>
      %dma_start3A = arith.constant 0 : i32
      %dma_start3A_18 = tpu.memref_slice %arg5[%add3A, %dma_start3A] : memref<32x16xf32, #tpu.memory_space<hbm>> -> memref<1x16xf32, #tpu.memory_space<hbm>>
      %dma_start3A_19 = tpu.memref_squeeze %dma_start3A_18 : memref<1x16xf32, #tpu.memory_space<hbm>> -> memref<16xf32, #tpu.memory_space<hbm>>
      %dma_start3A_20 = arith.constant 0 : i32
      %dma_start3A_21 = tpu.memref_slice %arg5[%add3A, %dma_start3A_20] : memref<32x16xf32, #tpu.memory_space<hbm>> -> memref<1x16xf32, #tpu.memory_space<hbm>>
      %dma_start3A_22 = tpu.memref_squeeze %dma_start3A_21 : memref<1x16xf32, #tpu.memory_space<hbm>> -> memref<16xf32, #tpu.memory_space<hbm>>
      tpu.enqueue_dma source(%arg9 : memref<16xf32, #tpu.memory_space<vmem>>) target(%dma_start3A_22 : memref<16xf32, #tpu.memory_space<hbm>>) target_semaphore(%run_scoped3A : memref<!tpu.dma_semaphore, #tpu.memory_space<semaphore_mem>>)
      %dma_wait3A = arith.constant 0 : i32
      %dma_wait3A_23 = tpu.memref_slice %arg5[%add3A, %dma_wait3A] : memref<32x16xf32, #tpu.memory_space<hbm>> -> memref<1x16xf32, #tpu.memory_space<hbm>>
      %dma_wait3A_24 = tpu.memref_squeeze %dma_wait3A_23 : memref<1x16xf32, #tpu.memory_space<hbm>> -> memref<16xf32, #tpu.memory_space<hbm>>
      %dma_wait3A_25 = arith.constant 0 : i32
      %dma_wait3A_26 = tpu.memref_slice %arg5[%add3A, %dma_wait3A_25] : memref<32x16xf32, #tpu.memory_space<hbm>> -> memref<1x16xf32, #tpu.memory_space<hbm>>
      %dma_wait3A_27 = tpu.memref_squeeze %dma_wait3A_26 : memref<1x16xf32, #tpu.memory_space<hbm>> -> memref<16xf32, #tpu.memory_space<hbm>>
      tpu.wait_dma2 semaphore(%run_scoped3A : memref<!tpu.dma_semaphore, #tpu.memory_space<semaphore_mem>>) src(%arg9 : memref<16xf32, #tpu.memory_space<vmem>>) dst(%dma_wait3A_27 : memref<16xf32, #tpu.memory_space<hbm>>)
      tpu.yield
    }) : () -> ()
    return
  }
}

</mosaic_0001>

<sc_bundles>
// kernel: kernel.4.cloned.1.call-start
scs
__scs_entry_jumppad:
0x0: {  	(pc) =	sbr.rel $0x88, $3  }
0x1: {  	(tag) =	ssettag $0x0;
	lr =	simm.s32 $0x1  }
0x2: {  	[smem:$0x3F9F] =	sst lr;
	_ =	strace $0xD0000000  }
0x3: {  	_ = 	snop  }
0x4: {  	_ = 	snop  }
0x5: {  	_ = 	snop  }
0x6: {  	_ = 	snop  }
0x7: {  	_ = 	snop  }
__scs_overlays_trampoline_lowered:
0x8: {  	[smem:$0x3FAE] =	sst s0  }
0x9: {  	[smem:$0x3FAF] =	sst s1  }
0xa: {  	[smem:$0x3FB0] =	sst s2  }
0xb: {  	[smem:$0x3FB1] =	sst s3  }
0xc: {  	[smem:$0x3FB2] =	sst s4  }
0xd: {  	[smem:$0x3FB3] =	sst s5  }
0xe: {  	[smem:$0x3FB4] =	sst s6  }
0xf: {  	[smem:$0x3FB5] =	sst s7  }
0x10: {  	[smem:$0x3FB6] =	sst s8  }
0x11: {  	[smem:$0x3FB7] =	sst s9;
	s0 =	simm.s32 @!p0 $0x0  }
0x12: {  	s1 =	sld [smem:$0x3F9D];
	s0 =	simm.s32 @p0 $0x1  }
0x13: {  	[smem:$0x3FB8] =	sst s0;
	s0 =	simm.s32 @!p1 $0x0  }
0x14: {  	s2 =	sld [smem:$0x3F9C];
	s0 =	simm.s32 @p1 $0x1  }
0x15: {  	[smem:$0x3FB9] =	sst s0;
	s0 =	simm.s32 @!p2 $0x0  }
0x16: {  	s3 =	sld [smem:$0x3FDB];
	s0 =	simm.s32 @p2 $0x1  }
0x17: {  	s4 =	simm.s32 $0x1BF5;
	[smem:$0x3FBB] =	sst s0  }
0x18: {  	s0 =	sld [smem:$0x3F9E];
	_ =	swait.ge [sflag:s4], $0x0  }
0x19: {  	s7 =	sld [smem:$0x3F9F]  }
0x1a: {  	s8 =	sadd.s32 $0xFFFFE003, lr  }
0x1b: {  	s9 =	sadd.s32 $0xFFFFFEF7, lr;
	s5 =	simm.s32 $0xFFFFFFFF;
	p2 =	slt.u32 s8, $0xFFFFF086  }
0x1c: {  	p1 =	slt.u32 s9, $0xF7A;
	s5 =	simm.s32 @!p2 $0x0  }
0x1d: {  	s5 =	simm.s32 @p1 $0x1;
	p0 =	seq.s32 s7, s2  }
0x1e: {  	s7 =	smul.u32 @!p0 $0xF7A, s2;
	p2 =	seq.s32 @!p0 s5, $0x0  }
0x1f: {  	s9 =	smul.u32 $0xF7A, s1;
	s8 =	simm.s32 @!p0 $0x1BF5;
	p2 =	por !p2, p0  }
0x20: {  	[sflag:s8] =	ssyncset.s32 @!p0 $0xFFFFF086;
	s6 =	sadd.s32 @!p0 s3, s7;
	s7 =	simm.s32 @!p0 $0x108  }
0x21: {  	s3 =	sadd.s32 s3, s9;
	s6 =	sadd.s32 @!p0 $0x88, s6;
	s7 =	simm.s32 @p2 $0x1082  }
0x22: {  	[simem:s7], [sflag:s8] =	dma.local @!p0 [hbm:s6], $0xF7A  }
0x23: {  	s9 =	sor.u32 $0xD0000000, s2;
	s6 =	simm.s32 $0x108;
	_ =	swait.ge @!p0 [sflag:s8], $0x0  }
0x24: {  	s3 =	sadd.s32 $0x88, s3;
	s6 =	simm.s32 @!p1 $0x1082;
	[sflag:s4] =	ssyncset.s32 $0xFFFFF086  }
0x25: {  	[simem:s6], [sflag:s4] =	dma.local [hbm:s3], $0xF7A  }
0x26: {  	[smem:$0x3F9F] =	sst s1;
	(tag) =	ssettag s2;
	_ =	strace s9  }
0x27: {  	s1 =	sld [smem:$0x3FAF]  }
0x28: {  	s2 =	sld [smem:$0x3FB0]  }
0x29: {  	s4 =	sld [smem:$0x3FB2]  }
0x2a: {  	p0 =	seq.s32 s5, $0x0;
	s5 =	sld [smem:$0x3FB3]  }
0x2b: {  	s6 =	sld [smem:$0x3FB4]  }
0x2c: {  	s7 =	sld [smem:$0x3FB5]  }
0x2d: {  	s3 =	simm.s32 $0x108;
	s8 =	sld [smem:$0x3FB6]  }
0x2e: {  	s3 =	simm.s32 @!p0 $0x1082;
	s9 =	sld [smem:$0x3FB7]  }
0x2f: {  	lr =	sadd.s32 s0, s3;
	s0 =	sld [smem:$0x3FAE]  }
0x30: {  	s3 =	sld [smem:$0x3FB1]  }
0x31: {  	[smem:$0x3FBA] =	sst s10  }
0x32: {  	s10 =	sld [smem:$0x3FB8];
	_ =	sdelay $0x3  }
0x33: {  	p0 =	seq.s32 s10, $0x1;
	s10 =	sld [smem:$0x3FBA];
	_ =	sdelay $0x3  }
0x34: {  	[smem:$0x3FBA] =	sst s10  }
0x35: {  	s10 =	sld [smem:$0x3FB9];
	_ =	sdelay $0x3  }
0x36: {  	p1 =	seq.s32 s10, $0x1;
	s10 =	sld [smem:$0x3FBA];
	_ =	sdelay $0x3  }
0x37: {  	[smem:$0x3FBA] =	sst s10  }
0x38: {  	s10 =	sld [smem:$0x3FBB]  }
0x39: {  	_ = 	snop;
	(pc) =	sbr.ind lr, $3  }
0x3a: {  	_ = 	snop  }
0x3b: {  	_ = 	snop  }
0x3c: {  	p2 =	seq.s32 s10, $0x1;
	s10 =	sld [smem:$0x3FBA]  }
0x3d: {  	_ =	shalt  }
0x3e: {  	_ =	shalt  }
0x3f: {  	_ =	shalt  }
0x40: {  	_ =	shalt  }
0x41: {  	_ =	shalt  }
0x42: {  	_ =	shalt  }
0x43: {  	_ =	shalt  }
0x44: {  	_ =	shalt  }
0x45: {  	_ =	shalt  }
0x46: {  	_ =	shalt  }
0x47: {  	_ =	shalt  }
0x48: {  	_ =	shalt  }
0x49: {  	_ =	shalt  }
0x4a: {  	_ =	shalt  }
0x4b: {  	_ =	shalt  }
0x4c: {  	_ =	shalt  }
0x4d: {  	_ =	shalt  }
0x4e: {  	_ =	shalt  }
0x4f: {  	_ =	shalt  }
0x50: {  	_ =	shalt  }
0x51: {  	_ =	shalt  }
0x52: {  	_ =	shalt  }
0x53: {  	_ =	shalt  }
0x54: {  	_ =	shalt  }
0x55: {  	_ =	shalt  }
0x56: {  	_ =	shalt  }
0x57: {  	_ =	shalt  }
0x58: {  	_ =	shalt  }
0x59: {  	_ =	shalt  }
0x5a: {  	_ =	shalt  }
0x5b: {  	_ =	shalt  }
0x5c: {  	_ =	shalt  }
0x5d: {  	_ =	shalt  }
0x5e: {  	_ =	shalt  }
0x5f: {  	_ =	shalt  }
0x60: {  	_ =	shalt  }
0x61: {  	_ =	shalt  }
0x62: {  	_ =	shalt  }
0x63: {  	_ =	shalt  }
0x64: {  	_ =	shalt  }
0x65: {  	_ =	shalt  }
0x66: {  	_ =	shalt  }
0x67: {  	_ =	shalt  }
0x68: {  	_ =	shalt  }
0x69: {  	_ =	shalt  }
0x6a: {  	_ =	shalt  }
0x6b: {  	_ =	shalt  }
0x6c: {  	_ =	shalt  }
0x6d: {  	_ =	shalt  }
0x6e: {  	_ =	shalt  }
0x6f: {  	_ =	shalt  }
0x70: {  	_ =	shalt  }
0x71: {  	_ =	shalt  }
0x72: {  	_ =	shalt  }
0x73: {  	_ =	shalt  }
0x74: {  	_ =	shalt  }
0x75: {  	_ =	shalt  }
0x76: {  	_ =	shalt  }
0x77: {  	_ =	shalt  }
0x78: {  	_ =	shalt  }
0x79: {  	_ =	shalt  }
0x7a: {  	_ =	shalt  }
0x7b: {  	_ =	shalt  }
0x7c: {  	_ =	shalt  }
0x7d: {  	_ =	shalt  }
0x7e: {  	_ =	shalt  }
0x7f: {  	_ =	shalt  }
0x80: {  	_ =	shalt  }
0x81: {  	_ =	shalt  }
0x82: {  	_ =	shalt  }
0x83: {  	_ =	shalt  }
0x84: {  	_ =	shalt  }
0x85: {  	_ =	shalt  }
0x86: {  	_ =	shalt  }
0x87: {  	_ =	shalt  }
.Lfunc_end0:
.L_simem_size_0:
called_computation_lowered:
.L_overlay_start_0:
0x88: {  	s2 =	sld [smem:$0x3FD9]  }
0x89: {  	s3 =	sld [smem:$0x3FFE];
	_ =	sdelay $0x1  }
0x8a: {  	s1 =	srdreg.scid  }
0x8b: {  	s0 =	sand.u32 $0x1, s1  }
0x8c: {  	s16 =	sshll.u32 s0, $0xA;
	s2 =	sadd.s32 s3, s2  }
0x8d: {  	s2 =	sadd.s32 s2, s16  }
0x8e: {  	[smem:$0x3FC6] =	sst s2  }
0x8f: {  	_ = 	snop  }
0x90: {  	(tm) =	ssettm $0x1  }
0x91: {  	s17 =	sld [smem:$0x3FFB];
	_ =	sdelay $0x3  }
0x92: {  	_ =	strace s17  }
0x93: {  	s2 =	sld [smem:$0x3FFC];
	_ =	sdelay $0x3  }
0x94: {  	_ =	strace s2  }
0x95: {  	s2 =	sld [smem:$0x3FFD];
	_ =	sdelay $0x3  }
0x96: {  	_ =	strace s2  }
0x97: {  	_ =	strace $0x8FFFFFFF  }
0x98: {  	s18 =	sld [smem:$0x3FDB];
	_ =	sdelay $0x1  }
0x99: {  	s19 =	simm.s32 $_scs_section_size  }
0x9a: {  	s4 =	simm.s32 $_size__tile_overlayer_lowered;
	s5 =	simm.s32 $_tile_overlayer_lowered  }
0x9b: {  	s22 =	simm.s32 $0x1BFF;
	s21 =	sshll.u32 s5, $0x1;
	s2 =	sadd.s32 s19, s18  }
0x9c: {  	s6 =	simm.s32 $0x0;
	s20 =	sshll.u32 s4, $0x1;
	s4 =	sadd.s32 s21, s2  }
0x9d: {  	[timem:s6], [sflag:s22] =	dma.local [hbm:s4], s20  }
0x9e: {  	_ =	swait.ge [sflag:s22], s20  }
0x9f: {  	s3 =	ssub.s32 $0x0, s20;
	[sflag:s22] =	ssyncset.done $0x0  }
0xa0: {  	[sflag:s22] =	ssyncadd.s32 s3;
	_ =	sdelay $0x1  }
0xa1: {  	s23 =	simm.s32 $0x1B8B  }
0xa2: {  	_ =	swait.ge [sflag:s23], $0x1  }
0xa3: {  	[sflag:s23] =	ssyncset.done $0x0  }
0xa4: {  	s25 =	simm.s32 $0x1B8E;
	s24 =	sld [smem:$0x3FFE];
	[sflag:s23] =	ssyncadd.s32 $0xFFFFFFFF  }
0xa5: {  	s26 =	simm.s32 $execute0_lowered;
	[smem:$0x3FD2] =	sst s25  }
0xa6: {  	s4 =	sshll.u32 s26, $0x1;
	_ =	strace $0x80000046;
	[dreg:$0x1] =	wrdreg $0xFFFFFFFF  }
0xa7: {  	s28 =	simm.s32 $_size_execute0_lowered;
	s2 =	sadd.s32 s2, s4;
	[dreg:$0x0] =	wrdreg $0x0  }
0xa8: {  	s4 =	sshll.u32 s28, $0x1;
	[dreg:$0x2] =	wrdreg s2  }
0xa9: {  	[dreg:$0x3] =	wrdreg s4  }
0xaa: {  	[dreg:$0x4] =	wrdreg $0xC0  }
0xab: {  	_ =	task [dreg:s6], $0x5FFFF  }
0xac: {  	[dreg:$0x1] =	wrdreg $0xFFFFFFFF  }
0xad: {  	[dreg:$0x0] =	wrdreg $0x60  }
0xae: {  	[dreg:$0x2] =	wrdreg s24  }
0xaf: {  	[dreg:$0x3] =	wrdreg $0x9  }
0xb0: {  	_ =	task.clear_ibuf [dreg:s6], $0x4FFFF;
	_ =	strace $0x90000046  }
0xb1: {  	s29 =	simm.s32 $0x9;
	_ =	strace $0x80000048  }
0xb2: {  	_ =	swait.ge [sflag:s29], $0x1  }
0xb3: {  	[sflag:s29] =	ssyncadd.s32 $0xFFFFFFFF  }
0xb4: {  	_ =	strace $0x90000048  }
0xb5: {  	_ =	sfence  }
0xb6: {  	s30 =	sld [smem:$0x0];
	_ =	sdelay $0x2  }
0xb7: {  	s31 =	sshll.u32 s1, $0xD;
	s1 =	sshrl.u32 s1, $0x2  }
0xb8: {  	s3 =	sand.u32 $0x4000, s31;
	s1 =	sadd.s32 s1, s30  }
0xb9: {  	s0 =	sor.u32 s3, s0;
	s1 =	sshll.u32 s1, $0x11  }
0xba: {  	s0 =	sor.u32 s1, s0  }
0xbb: {  	s0 =	sadd.s32 $0x8F2B, s0  }
0xbc: {  	[sflag:s0] =	ssyncadd.remote.s32 $0x1  }
0xbd: {  	_ =	sfence.sel $0xFFFF  }
0xbe: {  	[dreg:$0x0] =	wrdreg $0xFFFFFFFF;
	(pc) =	sbr.abs _section_cstart, $3  }
0xbf: {  	[dreg:$0x1] =	wrdreg $0xFFFFFFFF  }
0xc0: {  	_ =	task.clear_ibuf [dreg:s6], $0x2FFFF;
	_ =	strace $0x9FFFFFFF  }
0xc1: {  	(tm) =	ssettm $0x7FFFFFFF  }
tec
execute0_lowered:
.L_overlay_start_1:
0x0: {  	(tag) =	ssettag $0x1  }
0x1: {  	s0 =	rddreg [dreg:$0x0];
	s1 =	simm.s32 $0x0;
	s2 =	srdreg.scid  }
0x2: {  	s10 =	stileid.u32;
	s24 =	simm.s32 $0x400;
	s25 =	simm.s32 $0x14000  }
0x3: {  	s26 =	simm.s32 $0x0;
	[smem:$0x7FF] =	sst s1;
	s3 =	sadd.s32 $0x1600, s0  }
0x4: {  	s4 =	sadd.s32 $0x1A00, s0;
	s5 =	sadd.s32 $0x1E00, s0;
	s6 =	sadd.s32 $0x2200, s0  }
0x5: {  	s2 =	sand.u32 $0x1, s2;
	s9 =	sshll.u32 s10, $0x1;
	s7 =	sadd.s32 $0x2A00, s0  }
0x6: {  	s8 =	sadd.s32 $0x2600, s0;
	s10 =	sshrl.u32 s10, $0x2;
	_ =	strace $0x80000047  }
0x7: {  	s11 =	sor.u32 s2, s9;
	s9 =	sadd.s32 $0x3200, s0;
	s13 =	sshll.u32 s10, $0xA  }
0x8: {  	s14 =	sshll.u32 s10, $0x10;
	s2 =	ssub.s32 $0x2, s2;
	s12 =	sshll.u32 s11, $0x7  }
0x9: {  	s10 =	sadd.s32 $0x2E00, s0;
	s31 =	sshrl.u32 s2, $0x1;
	s12 =	sand.u32 $0x380, s12  }
0xa: {  	s15 =	sshll.u32 s11, $0x8;
	s13 =	sor.u32 s13, s12;
	s12 =	sor.u32 s14, s12  }
0xb: {  	s2 =	ssub.s32 s2, s31;
	s13 =	sshrl.u32 s13, $0x3;
	s12 =	sshrl.u32 s12, $0x3  }
0xc: {  	s14 =	simm.s32 $0x1;
	s13 =	sadd.s32 s13, s0;
	s0 =	sadd.s32 s12, s0  }
0xd: {  	v0 =	vimm.f32 $+Inf;
	vm0 =	vcmask $0x300;
	v1 =	vmov s15;
	s11 =	sadd.s32 $0x3600, s13;
	s12 =	sadd.s32 $0x3800, s0;
	s13 =	smax.u32 s2, $0x1  }
.LBB2_1:
0xe: {  	[tilespmem:s1], [sflag:$0x1] =	stream.linear.gather [hbm4b:s3+s1], $0x2000, $0x38;
	[tilespmem:$0x16080] =	vst v63  }
0xf: {  	_ =	swait.ge [sflag:s14], $0x2000  }
0x10: {  	[sflag:s14] =	ssyncset.done $0x0  }
0x11: {  	s0 =	simm.s32 $0x2000;
	[sflag:s14] =	ssyncadd.s32 $0xFFFFE000  }
0x12: {  	[tilespmem:s0], [sflag:$0x1] =	stream.linear.gather [hbm4b:s4+s1], $0x2000, $0x38;
	[tilespmem:$0x16080] =	vst v63  }
0x13: {  	_ =	swait.ge [sflag:s14], $0x2000  }
0x14: {  	[sflag:s14] =	ssyncset.done $0x0  }
0x15: {  	s22 =	simm.s32 $0x4000;
	[sflag:s14] =	ssyncadd.s32 $0xFFFFE000  }
0x16: {  	[tilespmem:s22], [sflag:$0x1] =	stream.linear.gather [hbm4b:s5+s1], $0x2000, $0x38;
	[tilespmem:$0x16080] =	vst v63  }
0x17: {  	_ =	swait.ge [sflag:s14], $0x2000  }
0x18: {  	[sflag:s14] =	ssyncset.done $0x0  }
0x19: {  	s23 =	simm.s32 $0x6000;
	[sflag:s14] =	ssyncadd.s32 $0xFFFFE000  }
0x1a: {  	[tilespmem:s23], [sflag:$0x1] =	stream.linear.gather [hbm4b:s6+s1], $0x2000, $0x38;
	[tilespmem:$0x16080] =	vst v63  }
0x1b: {  	_ =	swait.ge [sflag:s14], $0x2000  }
0x1c: {  	[sflag:s14] =	ssyncset.done $0x0  }
0x1d: {  	s28 =	simm.s32 $0x8000;
	[sflag:s14] =	ssyncadd.s32 $0xFFFFE000  }
0x1e: {  	[tilespmem:s28], [sflag:$0x1] =	stream.linear.gather [hbm4b:s7+s1], $0x2000, $0x38;
	[tilespmem:$0x16080] =	vst v63  }
0x1f: {  	_ =	swait.ge [sflag:s14], $0x2000  }
0x20: {  	[sflag:s14] =	ssyncset.done $0x0  }
0x21: {  	s29 =	simm.s32 $0xA000;
	[sflag:s14] =	ssyncadd.s32 $0xFFFFE000  }
0x22: {  	[tilespmem:s29], [sflag:$0x1] =	stream.linear.gather [hbm4b:s8+s1], $0x2000, $0x38;
	[tilespmem:$0x16080] =	vst v63  }
0x23: {  	_ =	swait.ge [sflag:s14], $0x2000  }
0x24: {  	[sflag:s14] =	ssyncset.done $0x0  }
0x25: {  	s30 =	simm.s32 $0xC000;
	[sflag:s14] =	ssyncadd.s32 $0xFFFFE000  }
0x26: {  	[tilespmem:s30], [sflag:$0x1] =	stream.linear.gather [hbm4b:s9+s1], $0x2000, $0x38;
	[tilespmem:$0x16080] =	vst v63  }
0x27: {  	_ =	swait.ge [sflag:s14], $0x2000  }
0x28: {  	[sflag:s14] =	ssyncset.done $0x0  }
0x29: {  	s31 =	simm.s32 $0xE000;
	[sflag:s14] =	ssyncadd.s32 $0xFFFFE000  }
0x2a: {  	[tilespmem:s31], [sflag:$0x1] =	stream.linear.gather [hbm4b:s10+s1], $0x2000, $0x38;
	[tilespmem:$0x16080] =	vst v63  }
0x2b: {  	_ =	swait.ge [sflag:s14], $0x2000  }
0x2c: {  	[sflag:s14] =	ssyncset.done $0x0  }
0x2d: {  	s2 =	simm.s32 $0x0;
	[sflag:s14] =	ssyncadd.s32 $0xFFFFE000  }
0x2e: {  	v3 =	vld [tilespmem:s2+$0x4000]  }
0x2f: {  	v4 =	vld [tilespmem:s2+$0x6000]  }
0x30: {  	v5 =	vld [tilespmem:s2+$0x0]  }
0x31: {  	v6 =	vld [tilespmem:s2+$0x2000];
	_ =	sdelay $0x1  }
0x32: {  	s0 =	simm.s32 $0x10;
	[tilespmem:s2+$0x14000] =	vst v0  }
0x33: {  	v2 =	vld [tilespmem:s0+$0x4000];
	v7 =	vmul.f32 v3, v3;
	v8 =	vmul.f32 v4, v4  }
0x34: {  	v3 =	vld [tilespmem:s0+$0x6000]  }
0x35: {  	v9 =	vmul.f32 v5, v5;
	v4 =	vld [tilespmem:s0+$0x0];
	v6 =	vmul.f32 v6, v6;
	v7 =	vadd.f32 v8, v7  }
0x36: {  	[tilespmem:s0+$0x14000] =	vst v0;
	v5 =	vld [tilespmem:s0+$0x2000]  }
0x37: {  	s15 =	simm.s32 $0x80;
	v6 =	vadd.f32 v6, v9;
	[tilespmem:s2+$0x12000] =	vst v7  }
.LBB2_2:
0x38: {  	s16 =	sshra.s32 s15, $0x2;
	p0 =	sne.s32 s15, $0x7FC0  }
.Ltmp0:
0x39: {  	s15 =	sadd.s32 $0x40, s15;
	v7 =	vmul.f32 v2, v2;
	v2 =	vld [tilespmem:s16+$0x4000];
	v8 =	vmul.f32 v3, v3;
	[tilespmem:s2+$0x10000] =	vst v6;
	(pc) =	sbr.rel @p0 .LBB2_2-.Ltmp0, $4  }
0x3a: {  	s2 =	smov.u32 s0;
	s0 =	smov.u32 s16;
	v3 =	vld [tilespmem:s16+$0x6000];
	[tilespmem:s16+$0x14000] =	vst v0;
	v6 =	vmul.f32 v4, v4  }
0x3b: {  	v4 =	vld [tilespmem:s0+$0x0];
	v9 =	vmul.f32 v5, v5;
	v7 =	vadd.f32 v8, v7  }
0x3c: {  	v5 =	vld [tilespmem:s0+$0x2000]  }
0x3d: {  	v6 =	vadd.f32 v9, v6;
	[tilespmem:s2+$0x12000] =	vst v7  }
0x3e: {  	_ =	sdelay $0x1  }
0x3f: {  	v2 =	vmul.f32 v2, v2;
	v3 =	vmul.f32 v3, v3  }
0x40: {  	v4 =	vmul.f32 v4, v4;
	v5 =	vmul.f32 v5, v5  }
0x41: {  	v2 =	vadd.f32 v3, v2  }
0x42: {  	[tilespmem:s2+$0x10000] =	vst v6;
	v3 =	vadd.f32 v5, v4  }
0x43: {  	[tilespmem:s0+$0x12000] =	vst v2  }
0x44: {  	s28 =	simm.s32 $0x0;
	s29 =	simm.f32 $0.0e+00;
	[tilespmem:s0+$0x10000] =	vst v3  }
.LBB2_4:
0x45: {  	_ =	sdelay $0x2  }
0x46: {  	s0 =	sshll.u32 s28, $0x4  }
0x47: {  	v4 =	vld.idx.msk [tilespmem:v1+s0+$0x8000 ss:$0x1], $0xffff;
	_ =	sdelay $0x4  }
0x48: {  	(v2sf) =	vpush v4, $0x0  }
0x49: {  	(v2sf) =	vpush v4, $0x1  }
0x4a: {  	(v2sf) =	vpush v4, $0x2  }
0x4b: {  	v3 =	vld.idx.msk [tilespmem:v1+s0+$0xA000 ss:$0x1], $0xffff;
	(v2sf) =	vpush v4, $0x3  }
0x4c: {  	(v2sf) =	vpush v4, $0x4  }
0x4d: {  	(v2sf) =	vpush v4, $0x5  }
0x4e: {  	(v2sf) =	vpush v4, $0x6  }
0x4f: {  	(v2sf) =	vpush v4, $0x7  }
0x50: {  	(v2sf) =	vpush v3, $0x0  }
0x51: {  	(v2sf) =	vpush v3, $0x1  }
0x52: {  	(v2sf) =	vpush v3, $0x2  }
0x53: {  	(v2sf) =	vpush v3, $0x3  }
0x54: {  	(v2sf) =	vpush v3, $0x4  }
0x55: {  	(v2sf) =	vpush v3, $0x5  }
0x56: {  	(v2sf) =	vpush v3, $0x6  }
0x57: {  	s2 =	spop (v2sf);
	(v2sf) =	vpush v3, $0x7  }
0x58: {  	s15 =	spop (v2sf)  }
0x59: {  	s2 =	sadd.f32 s2, s2;
	s16 =	spop (v2sf)  }
0x5a: {  	v2 =	vld.idx.msk [tilespmem:v1+s0+$0x10000 ss:$0x1], $0xffff;
	s15 =	sadd.f32 s15, s15;
	s17 =	spop (v2sf)  }
0x5b: {  	s16 =	sadd.f32 s16, s16;
	s18 =	spop (v2sf)  }
0x5c: {  	s17 =	sadd.f32 s17, s17;
	s19 =	spop (v2sf)  }
0x5d: {  	v32 =	vimm.f32 $+Inf;
	v34 =	vimm.f32 $+Inf;
	v36 =	vimm.f32 $+Inf;
	s18 =	sadd.f32 s18, s18;
	s30 =	spop (v2sf)  }
0x5e: {  	v35 =	vimm.f32 $+Inf;
	v33 =	vimm.f32 $+Inf;
	v31 =	vimm.f32 $+Inf;
	s31 =	spop (v2sf);
	s0 =	sadd.f32 s30, s30  }
0x5f: {  	v30 =	vimm.f32 $+Inf;
	v23 =	vbroadcast v2, $0x0;
	v11 =	vbroadcast v2, $0x1;
	s20 =	spop (v2sf);
	s23 =	sadd.f32 s31, s31;
	s31 =	simm.s32 $0xE010  }
0x60: {  	v16 =	vimm.f32 $+Inf;
	v9 =	vbroadcast v2, $0x2;
	v17 =	vbroadcast v2, $0x3;
	s19 =	sadd.f32 s19, s19;
	s21 =	spop (v2sf);
	v39 =	vld [tilespmem:s31+$0xFFFFFFF0]  }
0x61: {  	v10 =	vbroadcast v2, $0x4;
	v7 =	vbroadcast v2, $0x5;
	s20 =	sadd.f32 s20, s20;
	v8 =	vmov s0;
	s0 =	simm.s32 $0xC010;
	s22 =	spop (v2sf)  }
0x62: {  	v6 =	vbroadcast v2, $0x6;
	v5 =	vbroadcast v2, $0x7;
	v12 =	vmov s19;
	v40 =	vld [tilespmem:s0+$0xFFFFFFF0];
	s30 =	spop (v2sf);
	s19 =	sadd.f32 s22, s22  }
0x63: {  	v20 =	vmov s2;
	v13 =	vmov s15;
	v18 =	vmov s16;
	s21 =	sadd.f32 s21, s21;
	s2 =	spop (v2sf)  }
0x64: {  	v24 =	vmov s17;
	v25 =	vmov s20;
	s20 =	sadd.f32 s30, s30;
	s16 =	spop (v2sf);
	v22 =	vmov s19  }
0x65: {  	v14 =	vmov s18;
	v15 =	vmov s21;
	s2 =	sadd.f32 s2, s2;
	s18 =	spop (v2sf);
	v43 =	vmul.f32 v39, v22  }
0x66: {  	v21 =	vmov s23;
	s16 =	sadd.f32 s16, s16;
	v50 =	vmul.f32 v39, v25;
	v49 =	vmul.f32 v39, v15;
	s21 =	spop (v2sf)  }
0x67: {  	v26 =	vmov s20;
	v48 =	vmul.f32 v40, v20;
	v46 =	vmul.f32 v40, v13;
	s22 =	sadd.f32 s21, s21  }
0x68: {  	s15 =	simm.s32 $0x12010;
	v29 =	vmov s2;
	s23 =	sadd.f32 s18, s18;
	v44 =	vmul.f32 v40, v14;
	v45 =	vmul.f32 v39, v26  }
0x69: {  	v37 =	vld [tilespmem:s15+$0xFFFFFFF0];
	s17 =	simm.s32 $0x0;
	s30 =	simm.s32 $0x14010;
	v28 =	vmov s16;
	v42 =	vmul.f32 v39, v29;
	s16 =	simm.s32 $0x14010;
	v27 =	vmov s22  }
0x6a: {  	s19 =	simm.s32 $0xC030;
	s18 =	simm.s32 $0xE030;
	s2 =	simm.s32 $0x12010;
	v19 =	vmov s23;
	v41 =	vmul.f32 v39, v28;
	v47 =	vld [tilespmem:s16+$0xFFFFFFF0];
	v38 =	vmul.f32 v39, v27  }
.LBB2_5:
0x6b: {  	s17 =	sadd.s32 $0x2, s17;
	v48 =	vadd.f32 v50, v48;
	v50 =	vmul.f32 v40, v18;
	v51 =	vmul.f32 v40, v8;
	s16 =	sadd.s32 $0x20, s16;
	s15 =	sadd.s32 $0x20, s15  }
0x6c: {  	v52 =	vmul.f32 v40, v21;
	p0 =	slt.u32 s17, $0x1FE;
	v46 =	vadd.f32 v49, v46;
	v49 =	vmul.f32 v40, v24  }
0x6d: {  	v39 =	vmul.f32 v39, v19;
	v53 =	vsub.f32 v23, v48;
	v43 =	vadd.f32 v43, v50  }
0x6e: {  	v40 =	vmul.f32 v40, v12;
	v50 =	vsub.f32 v11, v46;
	v45 =	vadd.f32 v45, v49  }
0x6f: {  	v42 =	vadd.f32 v42, v44;
	v47 =	vmin.f32 v47, v53;
	v49 =	vsub.f32 v9, v43  }
0x70: {  	v40 =	vadd.f32 v41, v40;
	v44 =	vmin.f32 v47, v50;
	v47 =	vsub.f32 v17, v45  }
0x71: {  	v39 =	vadd.f32 v39, v51;
	v41 =	vmin.f32 v44, v49;
	v44 =	vsub.f32 v10, v42  }
0x72: {  	v38 =	vadd.f32 v38, v52;
	v41 =	vmin.f32 v41, v47;
	v47 =	vsub.f32 v7, v40  }
0x73: {  	v45 =	vsub.f32 v37, v45;
	v41 =	vmin.f32 v41, v44;
	v44 =	vsub.f32 v6, v39  }
0x74: {  	v41 =	vmin.f32 v41, v47;
	v47 =	vsub.f32 v37, v38;
	v38 =	vsub.f32 v5, v38  }
0x75: {  	v42 =	vsub.f32 v37, v42;
	v40 =	vsub.f32 v37, v40;
	v41 =	vmin.f32 v41, v44  }
0x76: {  	v43 =	vsub.f32 v37, v43;
	v44 =	vsub.f32 v37, v48;
	v38 =	vmin.f32 v41, v38  }
0x77: {  	v41 =	vsub.f32 v37, v46;
	v37 =	vsub.f32 v37, v39;
	[tilespmem:s30+$0xFFFFFFF0] =	vst v38  }
0x78: {  	v38 =	vld [tilespmem:s0+$0x0];
	s0 =	smov.u32 s19  }
0x79: {  	v39 =	vld [tilespmem:s31+$0x0];
	s31 =	smov.u32 s18;
	_ =	sdelay $0x2  }
0x7a: {  	v34 =	vmin.f32 v34, v43;
	v32 =	vmin.f32 v32, v44;
	v36 =	vmin.f32 v36, v37  }
0x7b: {  	v35 =	vmin.f32 v35, v40;
	v37 =	vmul.f32 v38, v20;
	v40 =	vmul.f32 v38, v24  }
0x7c: {  	v33 =	vmin.f32 v33, v42;
	v44 =	vmul.f32 v38, v18;
	v42 =	vld [tilespmem:s30+$0x0];
	v43 =	vmul.f32 v39, v25  }
0x7d: {  	v31 =	vmin.f32 v31, v45;
	v48 =	vmul.f32 v38, v21;
	v46 =	vmul.f32 v39, v29;
	v45 =	vld [tilespmem:s2+$0x0];
	s2 =	smov.u32 s15  }
0x7e: {  	v49 =	vmul.f32 v39, v27;
	v37 =	vadd.f32 v43, v37;
	v43 =	vmul.f32 v39, v28  }
0x7f: {  	v30 =	vmin.f32 v30, v47;
	v47 =	vmul.f32 v39, v22;
	v50 =	vmul.f32 v39, v26  }
0x80: {  	v52 =	vmul.f32 v38, v14;
	v48 =	vadd.f32 v49, v48;
	v51 =	vsub.f32 v23, v37  }
0x81: {  	v53 =	vmul.f32 v39, v15;
	v49 =	vmul.f32 v38, v13;
	v40 =	vadd.f32 v50, v40  }
0x82: {  	v44 =	vadd.f32 v47, v44;
	v42 =	vmin.f32 v42, v51;
	v47 =	vsub.f32 v45, v48  }
0x83: {  	v50 =	vsub.f32 v45, v40;
	v40 =	vsub.f32 v17, v40;
	v51 =	vmul.f32 v38, v12  }
0x84: {  	v46 =	vadd.f32 v46, v52;
	v39 =	vmul.f32 v39, v19;
	v37 =	vsub.f32 v45, v37  }
0x85: {  	v49 =	vadd.f32 v53, v49;
	v38 =	vmul.f32 v38, v8;
	v43 =	vadd.f32 v43, v51  }
0x86: {  	v32 =	vmin.f32 v32, v37;
	v37 =	vsub.f32 v45, v44;
	v30 =	vmin.f32 v30, v47  }
0x87: {  	v31 =	vmin.f32 v31, v50;
	v47 =	vsub.f32 v45, v46;
	v38 =	vadd.f32 v39, v38  }
0x88: {  	v39 =	vsub.f32 v11, v49;
	v34 =	vmin.f32 v34, v37;
	v37 =	vsub.f32 v45, v43  }
0x89: {  	v44 =	vsub.f32 v9, v44;
	v46 =	vsub.f32 v10, v46;
	v33 =	vmin.f32 v33, v47  }
0x8a: {  	v39 =	vmin.f32 v42, v39;
	v35 =	vmin.f32 v35, v37;
	v37 =	vsub.f32 v7, v43  }
0x8b: {  	v42 =	vsub.f32 v45, v38;
	v38 =	vsub.f32 v6, v38;
	v39 =	vmin.f32 v39, v44  }
0x8c: {  	v43 =	vsub.f32 v45, v49;
	v39 =	vmin.f32 v39, v40;
	v40 =	vsub.f32 v5, v48  }
0x8d: {  	v16 =	vmin.f32 v16, v41;
	v36 =	vmin.f32 v36, v42;
	v39 =	vmin.f32 v39, v46  }
0x8e: {  	v16 =	vmin.f32 v16, v43;
	v37 =	vmin.f32 v39, v37  }
0x8f: {  	v37 =	vmin.f32 v37, v38  }
0x90: {  	v37 =	vmin.f32 v37, v40  }
0x91: {  	[tilespmem:s30+$0x0] =	vst v37;
	s30 =	smov.u32 s16  }
0x92: {  	v39 =	vld [tilespmem:s18+$0xFFFFFFF0]  }
0x93: {  	v40 =	vld [tilespmem:s19+$0xFFFFFFF0];
	_ =	sdelay $0x2  }
0x94: {  	v37 =	vld [tilespmem:s15+$0xFFFFFFF0]  }
.Ltmp1:
0x95: {  	v43 =	vmul.f32 v39, v22;
	v38 =	vmul.f32 v39, v27;
	(pc) =	sbr.rel @p0 .LBB2_5-.Ltmp1, $4  }
0x96: {  	v42 =	vmul.f32 v39, v29;
	v48 =	vmul.f32 v40, v20  }
0x97: {  	v41 =	vmul.f32 v39, v28;
	v46 =	vmul.f32 v40, v13  }
0x98: {  	v50 =	vmul.f32 v39, v25;
	v44 =	vmul.f32 v40, v14  }
0x99: {  	s18 =	sadd.s32 $0x20, s18;
	s19 =	sadd.s32 $0x20, s19;
	v49 =	vmul.f32 v39, v15;
	v45 =	vmul.f32 v39, v26;
	v47 =	vld [tilespmem:s16+$0xFFFFFFF0]  }
0x9a: {  	v48 =	vadd.f32 v50, v48;
	v57 =	vmul.f32 v40, v18;
	v51 =	vmul.f32 v40, v8  }
0x9b: {  	v58 =	vmul.f32 v40, v24;
	v42 =	vadd.f32 v42, v44;
	(v2sf) =	vpush v4, $0x8  }
0x9c: {  	v60 =	vmul.f32 v40, v12;
	v46 =	vadd.f32 v49, v46;
	(v2sf) =	vpush v4, $0x9  }
0x9d: {  	v39 =	vmul.f32 v39, v19;
	v53 =	vsub.f32 v23, v48;
	v43 =	vadd.f32 v43, v57  }
0x9e: {  	v52 =	vmul.f32 v40, v21;
	v45 =	vadd.f32 v45, v58;
	v40 =	vadd.f32 v41, v60  }
0x9f: {  	v39 =	vadd.f32 v39, v51;
	v59 =	vsub.f32 v11, v46  }
0xa0: {  	v38 =	vadd.f32 v38, v52;
	v47 =	vmin.f32 v47, v53;
	v61 =	vsub.f32 v9, v43  }
0xa1: {  	v58 =	vsub.f32 v37, v42;
	v63 =	vsub.f32 v17, v45;
	v62 =	vmin.f32 v47, v59  }
0xa2: {  	v60 =	vsub.f32 v37, v48;
	v53 =	vsub.f32 v10, v42;
	v50 =	vmin.f32 v62, v61  }
0xa3: {  	(v2sf) =	vpush v4, $0xA;
	v54 =	vsub.f32 v7, v40;
	v41 =	vmin.f32 v50, v63  }
0xa4: {  	(v2sf) =	vpush v4, $0xB;
	v55 =	vsub.f32 v6, v39;
	v41 =	vmin.f32 v41, v53  }
0xa5: {  	v56 =	vsub.f32 v5, v38;
	v57 =	vsub.f32 v37, v45;
	v41 =	vmin.f32 v41, v54  }
0xa6: {  	v38 =	vsub.f32 v37, v38;
	v40 =	vsub.f32 v37, v40;
	v41 =	vmin.f32 v41, v55  }
0xa7: {  	v43 =	vsub.f32 v37, v43;
	(v2sf) =	vpush v4, $0xC;
	v41 =	vmin.f32 v41, v56  }
0xa8: {  	v39 =	vsub.f32 v37, v39;
	(v2sf) =	vpush v4, $0xD;
	[tilespmem:s30+$0xFFFFFFF0] =	vst v41  }
0xa9: {  	v32 =	vmin.f32 v32, v60;
	v33 =	vmin.f32 v33, v58;
	(v2sf) =	vpush v4, $0xE;
	v59 =	vld [tilespmem:s0+$0x0]  }
0xaa: {  	v42 =	vimm.f32 $+Inf;
	v62 =	vsub.f32 v37, v46;
	(v2sf) =	vpush v4, $0xF;
	v61 =	vld [tilespmem:s31+$0x0]  }
0xab: {  	v34 =	vmin.f32 v34, v43;
	v36 =	vmin.f32 v36, v39;
	(v2sf) =	vpush v3, $0x8  }
0xac: {  	v35 =	vmin.f32 v35, v40;
	v31 =	vmin.f32 v31, v57;
	(v2sf) =	vpush v3, $0x9  }
0xad: {  	v43 =	vimm.f32 $+Inf;
	v37 =	vimm.f32 $+Inf;
	(v2sf) =	vpush v3, $0xA  }
0xae: {  	v40 =	vimm.f32 $+Inf;
	(v2sf) =	vpush v3, $0xB;
	v20 =	vmul.f32 v59, v20  }
0xaf: {  	(v2sf) =	vpush v3, $0xC;
	v24 =	vmul.f32 v59, v24;
	v25 =	vmul.f32 v61, v25  }
0xb0: {  	(v2sf) =	vpush v3, $0xD;
	v18 =	vmul.f32 v59, v18;
	v29 =	vmul.f32 v61, v29  }
0xb1: {  	(v2sf) =	vpush v3, $0xE;
	v21 =	vmul.f32 v59, v21;
	v27 =	vmul.f32 v61, v27  }
0xb2: {  	v63 =	vld [tilespmem:s2+$0x0];
	s22 =	spop (v2sf);
	(v2sf) =	vpush v3, $0xF;
	v4 =	vmul.f32 v61, v26;
	v22 =	vmul.f32 v61, v22  }
0xb3: {  	v14 =	vmul.f32 v59, v14;
	v13 =	vmul.f32 v59, v13;
	v20 =	vadd.f32 v25, v20  }
0xb4: {  	v15 =	vmul.f32 v61, v15;
	v21 =	vadd.f32 v27, v21;
	v4 =	vadd.f32 v4, v24  }
0xb5: {  	v12 =	vmul.f32 v59, v12;
	v18 =	vadd.f32 v22, v18;
	v3 =	vadd.f32 v29, v14  }
0xb6: {  	v8 =	vmul.f32 v59, v8;
	v13 =	vadd.f32 v15, v13;
	v23 =	vsub.f32 v23, v20  }
0xb7: {  	v26 =	vld [tilespmem:s30+$0x0];
	v25 =	vmul.f32 v61, v28;
	v22 =	vsub.f32 v63, v21;
	v28 =	vsub.f32 v63, v4  }
0xb8: {  	s23 =	spop (v2sf);
	v14 =	vmul.f32 v61, v19;
	v4 =	vsub.f32 v17, v4;
	v17 =	vsub.f32 v63, v20  }
0xb9: {  	v41 =	vimm.f32 $+Inf;
	s15 =	spop (v2sf);
	v15 =	vadd.f32 v25, v12;
	v20 =	vsub.f32 v63, v3  }
0xba: {  	s0 =	sadd.f32 s22, s22;
	s16 =	spop (v2sf);
	v27 =	vmin.f32 v30, v38;
	v8 =	vadd.f32 v14, v8;
	v11 =	vsub.f32 v11, v13  }
0xbb: {  	s2 =	sadd.f32 s23, s23;
	s17 =	spop (v2sf);
	v38 =	vimm.f32 $+Inf;
	v9 =	vsub.f32 v9, v18;
	v3 =	vsub.f32 v10, v3  }
0xbc: {  	s15 =	sadd.f32 s15, s15;
	s18 =	spop (v2sf);
	v26 =	vmin.f32 v26, v23;
	v24 =	vmin.f32 v32, v17;
	v17 =	vsub.f32 v63, v18  }
0xbd: {  	s22 =	sadd.f32 s17, s17;
	s19 =	spop (v2sf);
	v12 =	vmin.f32 v27, v22;
	v19 =	vmin.f32 v31, v28;
	v14 =	vsub.f32 v63, v15  }
0xbe: {  	s23 =	sadd.f32 s19, s19;
	v23 =	vmin.f32 v33, v20;
	v7 =	vsub.f32 v7, v15;
	v10 =	vmin.f32 v26, v11  }
0xbf: {  	s16 =	sadd.f32 s16, s16;
	s20 =	spop (v2sf);
	v6 =	vsub.f32 v6, v8;
	v18 =	vmov s15;
	v9 =	vmin.f32 v10, v9  }
0xc0: {  	s21 =	spop (v2sf);
	s15 =	sadd.f32 s18, s18;
	v15 =	vmov s22;
	v11 =	vmov s23;
	v4 =	vmin.f32 v9, v4  }
0xc1: {  	s17 =	spop (v2sf);
	s22 =	sadd.f32 s20, s20;
	v26 =	vimm.f32 $+Inf;
	v25 =	vmin.f32 v34, v17;
	v3 =	vmin.f32 v4, v3  }
0xc2: {  	s18 =	spop (v2sf);
	s23 =	sadd.f32 s17, s17;
	v20 =	vmin.f32 v35, v14;
	v4 =	vsub.f32 v5, v21;
	v3 =	vmin.f32 v3, v7  }
0xc3: {  	v17 =	vmov s0;
	s19 =	spop (v2sf);
	v29 =	vmov s22;
	s22 =	sadd.f32 s18, s18;
	v3 =	vmin.f32 v3, v6  }
0xc4: {  	v14 =	vmov s2;
	s20 =	spop (v2sf);
	v27 =	vmov s23;
	s23 =	sadd.f32 s19, s19;
	v3 =	vmin.f32 v3, v4  }
0xc5: {  	s31 =	simm.s32 $0xE010;
	v10 =	vbroadcast v2, $0x8;
	v9 =	vbroadcast v2, $0x9;
	v21 =	vmov s16;
	s16 =	sadd.f32 s21, s21;
	s21 =	spop (v2sf);
	[tilespmem:s30+$0x0] =	vst v3  }
0xc6: {  	s0 =	simm.s32 $0xC010;
	v5 =	vsub.f32 v63, v8;
	v30 =	vmov s22;
	v8 =	vbroadcast v2, $0xA;
	s17 =	spop (v2sf);
	v45 =	vld [tilespmem:s31+$0xFFFFFFF0]  }
0xc7: {  	v7 =	vmin.f32 v16, v62;
	v28 =	vmov s23;
	v6 =	vsub.f32 v63, v13;
	s18 =	spop (v2sf);
	v46 =	vld [tilespmem:s0+$0xFFFFFFF0]  }
0xc8: {  	v32 =	vmin.f32 v36, v5;
	v13 =	vmov s15;
	v5 =	vbroadcast v2, $0xD;
	s19 =	sadd.f32 s18, s18  }
0xc9: {  	s20 =	sadd.f32 s20, s20;
	v4 =	vbroadcast v2, $0xE;
	v36 =	vmin.f32 v7, v6;
	v7 =	vbroadcast v2, $0xB  }
0xca: {  	s22 =	sadd.f32 s21, s21;
	v6 =	vbroadcast v2, $0xC;
	v3 =	vbroadcast v2, $0xF;
	v16 =	vmov s19  }
0xcb: {  	v33 =	vmov s20;
	v49 =	vmul.f32 v45, v30;
	v44 =	vmul.f32 v45, v16  }
0xcc: {  	v34 =	vmov s22;
	v54 =	vmul.f32 v46, v17;
	v48 =	vmul.f32 v45, v33  }
0xcd: {  	v31 =	vmov s16;
	s23 =	sadd.f32 s17, s17;
	s15 =	simm.s32 $0x12010;
	v52 =	vmul.f32 v46, v14;
	v47 =	vmul.f32 v45, v34  }
0xce: {  	s2 =	simm.s32 $0x12010;
	v35 =	vimm.f32 $+Inf;
	s16 =	simm.s32 $0x14010;
	s17 =	simm.s32 $0x0;
	v39 =	vld [tilespmem:s15+$0xFFFFFFF0];
	v56 =	vmul.f32 v45, v31;
	v50 =	vmul.f32 v46, v15  }
0xcf: {  	s18 =	simm.s32 $0xE030;
	v22 =	vmov s23;
	s30 =	simm.s32 $0x14010;
	v51 =	vld [tilespmem:s16+$0xFFFFFFF0];
	s19 =	simm.s32 $0xC030;
	v55 =	vmul.f32 v45, v27;
	v53 =	vmul.f32 v45, v28  }
.LBB2_7:
0xd0: {  	s17 =	sadd.s32 $0x2, s17;
	v54 =	vadd.f32 v56, v54;
	v56 =	vmul.f32 v46, v18;
	v57 =	vmul.f32 v46, v11;
	s16 =	sadd.s32 $0x20, s16;
	s15 =	sadd.s32 $0x20, s15  }
0xd1: {  	v58 =	vmul.f32 v46, v29;
	p0 =	slt.u32 s17, $0x1FE;
	v52 =	vadd.f32 v55, v52;
	v55 =	vmul.f32 v46, v21  }
0xd2: {  	v45 =	vmul.f32 v45, v22;
	v59 =	vsub.f32 v10, v54;
	v49 =	vadd.f32 v49, v56  }
0xd3: {  	v46 =	vmul.f32 v46, v13;
	v56 =	vsub.f32 v9, v52;
	v53 =	vadd.f32 v53, v55  }
0xd4: {  	v48 =	vadd.f32 v48, v50;
	v51 =	vmin.f32 v51, v59;
	v55 =	vsub.f32 v8, v49  }
0xd5: {  	v46 =	vadd.f32 v47, v46;
	v50 =	vmin.f32 v51, v56;
	v51 =	vsub.f32 v7, v53  }
0xd6: {  	v45 =	vadd.f32 v45, v57;
	v47 =	vmin.f32 v50, v55;
	v50 =	vsub.f32 v6, v48  }
0xd7: {  	v44 =	vadd.f32 v44, v58;
	v47 =	vmin.f32 v47, v51;
	v51 =	vsub.f32 v5, v46  }
0xd8: {  	v53 =	vsub.f32 v39, v53;
	v47 =	vmin.f32 v47, v50;
	v50 =	vsub.f32 v4, v45  }
0xd9: {  	v47 =	vmin.f32 v47, v51;
	v51 =	vsub.f32 v39, v44;
	v44 =	vsub.f32 v3, v44  }
0xda: {  	v48 =	vsub.f32 v39, v48;
	v46 =	vsub.f32 v39, v46;
	v47 =	vmin.f32 v47, v50  }
0xdb: {  	v49 =	vsub.f32 v39, v49;
	v50 =	vsub.f32 v39, v54;
	v44 =	vmin.f32 v47, v44  }
0xdc: {  	v47 =	vsub.f32 v39, v52;
	v39 =	vsub.f32 v39, v45;
	[tilespmem:s30+$0xFFFFFFF0] =	vst v44  }
0xdd: {  	v44 =	vld [tilespmem:s0+$0x0];
	s0 =	smov.u32 s19  }
0xde: {  	v45 =	vld [tilespmem:s31+$0x0];
	s31 =	smov.u32 s18;
	_ =	sdelay $0x2  }
0xdf: {  	v43 =	vmin.f32 v43, v49;
	v41 =	vmin.f32 v41, v50;
	v38 =	vmin.f32 v38, v39  }
0xe0: {  	v37 =	vmin.f32 v37, v46;
	v39 =	vmul.f32 v44, v17;
	v46 =	vmul.f32 v44, v21  }
0xe1: {  	v42 =	vmin.f32 v42, v48;
	v50 =	vmul.f32 v44, v18;
	v48 =	vld [tilespmem:s30+$0x0];
	v49 =	vmul.f32 v45, v31  }
0xe2: {  	v40 =	vmin.f32 v40, v53;
	v54 =	vmul.f32 v44, v29;
	v53 =	vmul.f32 v45, v33;
	v52 =	vld [tilespmem:s2+$0x0];
	s2 =	smov.u32 s15  }
0xe3: {  	v55 =	vmul.f32 v45, v16;
	v39 =	vadd.f32 v49, v39;
	v49 =	vmul.f32 v45, v34  }
0xe4: {  	v26 =	vmin.f32 v26, v51;
	v51 =	vmul.f32 v45, v30;
	v56 =	vmul.f32 v45, v28  }
0xe5: {  	v58 =	vmul.f32 v44, v15;
	v54 =	vadd.f32 v55, v54;
	v57 =	vsub.f32 v10, v39  }
0xe6: {  	v59 =	vmul.f32 v45, v27;
	v55 =	vmul.f32 v44, v14;
	v46 =	vadd.f32 v56, v46  }
0xe7: {  	v50 =	vadd.f32 v51, v50;
	v48 =	vmin.f32 v48, v57;
	v51 =	vsub.f32 v52, v54  }
0xe8: {  	v56 =	vsub.f32 v52, v46;
	v46 =	vsub.f32 v7, v46;
	v57 =	vmul.f32 v44, v13  }
0xe9: {  	v53 =	vadd.f32 v53, v58;
	v45 =	vmul.f32 v45, v22;
	v39 =	vsub.f32 v52, v39  }
0xea: {  	v55 =	vadd.f32 v59, v55;
	v44 =	vmul.f32 v44, v11;
	v49 =	vadd.f32 v49, v57  }
0xeb: {  	v41 =	vmin.f32 v41, v39;
	v39 =	vsub.f32 v52, v50;
	v26 =	vmin.f32 v26, v51  }
0xec: {  	v40 =	vmin.f32 v40, v56;
	v51 =	vsub.f32 v52, v53;
	v44 =	vadd.f32 v45, v44  }
0xed: {  	v45 =	vsub.f32 v9, v55;
	v43 =	vmin.f32 v43, v39;
	v39 =	vsub.f32 v52, v49  }
0xee: {  	v50 =	vsub.f32 v8, v50;
	v42 =	vmin.f32 v42, v51;
	v51 =	vsub.f32 v6, v53  }
0xef: {  	v45 =	vmin.f32 v48, v45;
	v37 =	vmin.f32 v37, v39;
	v39 =	vsub.f32 v5, v49  }
0xf0: {  	v48 =	vsub.f32 v52, v44;
	v44 =	vsub.f32 v4, v44;
	v45 =	vmin.f32 v45, v50  }
0xf1: {  	v49 =	vsub.f32 v52, v55;
	v45 =	vmin.f32 v45, v46;
	v46 =	vsub.f32 v3, v54  }
0xf2: {  	v35 =	vmin.f32 v35, v47;
	v38 =	vmin.f32 v38, v48;
	v45 =	vmin.f32 v45, v51  }
0xf3: {  	v35 =	vmin.f32 v35, v49;
	v39 =	vmin.f32 v45, v39  }
0xf4: {  	v39 =	vmin.f32 v39, v44  }
0xf5: {  	v39 =	vmin.f32 v39, v46  }
0xf6: {  	[tilespmem:s30+$0x0] =	vst v39;
	s30 =	smov.u32 s16  }
0xf7: {  	v45 =	vld [tilespmem:s18+$0xFFFFFFF0]  }
0xf8: {  	v46 =	vld [tilespmem:s19+$0xFFFFFFF0];
	_ =	sdelay $0x2  }
0xf9: {  	v39 =	vld [tilespmem:s15+$0xFFFFFFF0]  }
.Ltmp2:
0xfa: {  	v49 =	vmul.f32 v45, v30;
	v44 =	vmul.f32 v45, v16;
	(pc) =	sbr.rel @p0 .LBB2_7-.Ltmp2, $4  }
0xfb: {  	v48 =	vmul.f32 v45, v33;
	v54 =	vmul.f32 v46, v17  }
0xfc: {  	v47 =	vmul.f32 v45, v34;
	v52 =	vmul.f32 v46, v14  }
0xfd: {  	v56 =	vmul.f32 v45, v31;
	v50 =	vmul.f32 v46, v15  }
0xfe: {  	s18 =	sadd.s32 $0x20, s18;
	s19 =	sadd.s32 $0x20, s19;
	v55 =	vmul.f32 v45, v27;
	v53 =	vmul.f32 v45, v28;
	v51 =	vld [tilespmem:s16+$0xFFFFFFF0]  }
0xff: {  	v54 =	vadd.f32 v56, v54;
	v62 =	vmul.f32 v46, v18;
	v57 =	vmul.f32 v46, v11  }
0x100: {  	v63 =	vmul.f32 v46, v21;
	v48 =	vadd.f32 v48, v50;
	(v2sf) =	vpush v2, $0x0  }
0x101: {  	v58 =	vmul.f32 v46, v29;
	v52 =	vadd.f32 v55, v52;
	(v2sf) =	vpush v2, $0x1  }
0x102: {  	v60 =	vmul.f32 v46, v13;
	v59 =	vsub.f32 v10, v54;
	v49 =	vadd.f32 v49, v62  }
0x103: {  	v45 =	vmul.f32 v45, v22;
	v53 =	vadd.f32 v53, v63;
	v56 =	vsub.f32 v9, v52  }
0x104: {  	v46 =	vadd.f32 v47, v60;
	v61 =	vsub.f32 v8, v49;
	v62 =	vmin.f32 v51, v59  }
0x105: {  	v60 =	vsub.f32 v6, v48;
	v63 =	vsub.f32 v7, v53;
	v59 =	vmin.f32 v62, v56  }
0x106: {  	(xrf0) =	vmin.scan.msk.f32 $0xffff, v24;
	v45 =	vadd.f32 v45, v57;
	v44 =	vadd.f32 v44, v58;
	v47 =	vmin.f32 v59, v61  }
0x107: {  	(xrf0) =	vmin.scan.msk.f32 $0xffff, v36;
	(v2sf) =	vpush v2, $0x2;
	v61 =	vsub.f32 v5, v46;
	v47 =	vmin.f32 v47, v63  }
0x108: {  	(v2sf) =	vpush v2, $0x3;
	v63 =	vsub.f32 v4, v45;
	v62 =	vmin.f32 v47, v60  }
0x109: {  	(xrf0) =	vmin.scan.msk.f32 $0xffff, v25;
	v55 =	vsub.f32 v3, v44;
	(v2sf) =	vpush v2, $0x4;
	v24 =	vmin.f32 v62, v61  }
0x10a: {  	(xrf0) =	vmin.scan.msk.f32 $0xffff, v19;
	(v2sf) =	vpush v2, $0x5;
	v24 =	vmin.f32 v24, v63  }
0x10b: {  	v57 =	vsub.f32 v39, v48;
	(xrf0) =	vmin.scan.msk.f32 $0xffff, v23;
	(v2sf) =	vpush v2, $0x6;
	v24 =	vmin.f32 v24, v55  }
0x10c: {  	v48 =	vsub.f32 v39, v52;
	v58, _, _ =	vpop (xrf0);
	(xrf0) =	vmin.scan.msk.f32 $0xffff, v20;
	(v2sf) =	vpush v2, $0x7;
	[tilespmem:s30+$0xFFFFFFF0] =	vst v24  }
0x10d: {  	v36 =	vsub.f32 v39, v46;
	(v2sf) =	vpush v58, $0xF;
	v59, _, _ =	vpop (xrf0);
	(xrf0) =	vmin.scan.msk.f32 $0xffff, v32;
	v24 =	vld [tilespmem:s0+$0x0]  }
0x10e: {  	v56 =	vsub.f32 v39, v53;
	v60 =	vsub.f32 v39, v54;
	v46 =	vld [tilespmem:s31+$0x0]  }
0x10f: {  	v61 =	vsub.f32 v39, v49;
	(v2sf) =	vpush v59, $0xF;
	v62, _, _ =	vpop (xrf0);
	(xrf0) =	vmin.scan.msk.f32 $0xffff, v12  }
0x110: {  	v23 =	vmin.f32 v42, v57;
	v19 =	vmin.f32 v40, v56;
	(v2sf) =	vpush v62, $0xF;
	v63, _, _ =	vpop (xrf0)  }
0x111: {  	v25 =	vmin.f32 v41, v60;
	v32 =	vmin.f32 v43, v61;
	v47, _, _ =	vpop (xrf0);
	(v2sf) =	vpush v63, $0xF  }
0x112: {  	v41 =	vld [tilespmem:s2+$0x0];
	v63 =	vmin.f32 v35, v48;
	(v2sf) =	vpush v47, $0xF;
	v54, _, _ =	vpop (xrf0);
	v17 =	vmul.f32 v24, v17  }
0x113: {  	s18 =	spop (v2sf);
	(v2sf) =	vpush v54, $0xF;
	v57, _, _ =	vpop (xrf0);
	v49 =	vmul.f32 v24, v21;
	v50 =	vmul.f32 v46, v31  }
0x114: {  	s19 =	spop (v2sf);
	(v2sf) =	vpush v57, $0xF;
	v51 =	vmul.f32 v24, v18;
	v52 =	vmul.f32 v46, v33  }
0x115: {  	v59, _, _ =	vpop (xrf0);
	v14 =	vmul.f32 v24, v14;
	v56 =	vmul.f32 v46, v27;
	v12 =	vadd.f32 v50, v17  }
0x116: {  	s20 =	spop (v2sf);
	v53 =	vmul.f32 v24, v29;
	v55 =	vmul.f32 v46, v34;
	(v2sf) =	vpush v59, $0xF  }
0x117: {  	v30 =	vmul.f32 v46, v30;
	s17 =	spop (v2sf);
	v20 =	vadd.f32 v56, v14;
	v58 =	vsub.f32 v41, v12  }
0x118: {  	v28 =	vmul.f32 v46, v28;
	v15 =	vmul.f32 v24, v15;
	s15 =	spop (v2sf);
	(v2sf) =	vpush v2, $0x8  }
0x119: {  	v60 =	vadd.f32 v30, v51;
	s16 =	spop (v2sf);
	v62 =	vsub.f32 v41, v20;
	v61 =	vmin.f32 v25, v58  }
0x11a: {  	v34 =	vmul.f32 v24, v13;
	(v2sf) =	vpush v2, $0x9;
	v21 =	vadd.f32 v28, v49;
	s2 =	spop (v2sf);
	(xrf0) =	vmin.scan.msk.f32 $0xffff, v61  }
0x11b: {  	(v2sf) =	vpush v2, $0xA;
	v30 =	vsub.f32 v41, v60;
	s0 =	spop (v2sf);
	v25 =	vmin.f32 v63, v62  }
0x11c: {  	v35 =	vmul.f32 v46, v22;
	v15 =	vadd.f32 v52, v15;
	(v2sf) =	vpush v2, $0xB;
	s21 =	spop (v2sf);
	(xrf0) =	vmin.scan.msk.f32 $0xffff, v25  }
0x11d: {  	v33 =	vsub.f32 v41, v21;
	(v2sf) =	vpush v2, $0xC;
	v18 =	vmin.f32 v32, v30;
	s18 =	sadd.f32 s21, s18  }
0x11e: {  	v40 =	vmul.f32 v24, v11;
	v13 =	vadd.f32 v55, v34;
	s23 =	spop (v2sf);
	(v2sf) =	vpush v2, $0xD;
	(xrf0) =	vmin.scan.msk.f32 $0xffff, v18  }
0x11f: {  	v43 =	vsub.f32 v41, v15;
	v42 =	vmin.f32 v19, v33;
	(v2sf) =	vpush v2, $0xE;
	s19 =	sadd.f32 s23, s19;
	s18 =	smax.f32 s18, $0.0e+00  }
0x120: {  	v16 =	vmul.f32 v46, v16;
	v11 =	vadd.f32 v35, v40;
	s22 =	spop (v2sf);
	(v2sf) =	vpush v2, $0xF;
	s18 =	sadd.f32 s18, s29;
	v2, _, _ =	vpop (xrf0);
	(xrf0) =	vmin.scan.msk.f32 $0xffff, v42  }
0x121: {  	v47 =	vsub.f32 v41, v13;
	v18 =	vmin.f32 v23, v43;
	s19 =	smax.f32 s19, $0.0e+00;
	s31 =	spop (v2sf);
	(v2sf) =	vpush v2, $0xF  }
0x122: {  	v48 =	vmin.f32 v37, v36;
	v16 =	vadd.f32 v16, v53;
	s20 =	sadd.f32 s22, s20;
	s23 =	spop (v2sf);
	v2 =	vsub.f32 v39, v45;
	v49, _, _ =	vpop (xrf0);
	(xrf0) =	vmin.scan.msk.f32 $0xffff, v18  }
0x123: {  	v50 =	vsub.f32 v41, v11;
	v17 =	vmin.f32 v48, v47;
	s18 =	sadd.f32 s19, s18;
	s19 =	spop (v2sf);
	(v2sf) =	vpush v49, $0xF  }
0x124: {  	v51 =	vsub.f32 v39, v44;
	s17 =	sadd.f32 s31, s17;
	s20 =	smax.f32 s20, $0.0e+00;
	v52, _, _ =	vpop (xrf0);
	(xrf0) =	vmin.scan.msk.f32 $0xffff, v17;
	v2 =	vmin.f32 v38, v2  }
0x125: {  	v53 =	vsub.f32 v41, v16;
	s15 =	sadd.f32 s23, s15;
	s21 =	spop (v2sf);
	(v2sf) =	vpush v52, $0xF;
	v2 =	vmin.f32 v2, v50  }
0x126: {  	v54 =	vmin.f32 v26, v51;
	s18 =	sadd.f32 s20, s18;
	s17 =	smax.f32 s17, $0.0e+00;
	v55, _, _ =	vpop (xrf0);
	(xrf0) =	vmin.scan.msk.f32 $0xffff, v2  }
0x127: {  	s16 =	sadd.f32 s19, s16;
	s31 =	spop (v2sf);
	v2 =	vmin.f32 v54, v53;
	(v2sf) =	vpush v55, $0xF  }
0x128: {  	s17 =	sadd.f32 s17, s18;
	s18 =	spop (v2sf);
	v56, _, _ =	vpop (xrf0);
	(xrf0) =	vmin.scan.msk.f32 $0xffff, v2  }
0x129: {  	s15 =	smax.f32 s15, $0.0e+00;
	s22 =	spop (v2sf);
	(v2sf) =	vpush v56, $0xF  }
0x12a: {  	s2 =	sadd.f32 s21, s2;
	s19 =	spop (v2sf);
	v2, _, _ =	vpop (xrf0)  }
0x12b: {  	s15 =	sadd.f32 s15, s17;
	s23 =	spop (v2sf);
	(v2sf) =	vpush v2, $0xF  }
0x12c: {  	s16 =	smax.f32 s16, $0.0e+00;
	s17 =	spop (v2sf);
	v2, _, _ =	vpop (xrf0)  }
0x12d: {  	s15 =	sadd.f32 s16, s15;
	s16 =	spop (v2sf);
	(v2sf) =	vpush v2, $0xF  }
0x12e: {  	s2 =	smax.f32 s2, $0.0e+00;
	s20 =	spop (v2sf);
	v2, _, _ =	vpop (xrf0)  }
0x12f: {  	s0 =	sadd.f32 s31, s0;
	s21 =	spop (v2sf);
	(v2sf) =	vpush v2, $0xF  }
0x130: {  	s2 =	sadd.f32 s2, s15;
	s31 =	spop (v2sf)  }
0x131: {  	s0 =	smax.f32 s0, $0.0e+00;
	s15 =	sadd.f32 s31, s18  }
0x132: {  	s0 =	sadd.f32 s0, s2;
	s18 =	spop (v2sf)  }
0x133: {  	s2 =	sadd.f32 s18, s22;
	s15 =	smax.f32 s15, $0.0e+00  }
0x134: {  	s22 =	spop (v2sf);
	s0 =	sadd.f32 s15, s0  }
0x135: {  	s2 =	smax.f32 s2, $0.0e+00;
	s15 =	sadd.f32 s22, s19  }
0x136: {  	v2 =	vld [tilespmem:s30+$0x0];
	s31 =	spop (v2sf);
	s0 =	sadd.f32 s2, s0  }
0x137: {  	s15 =	smax.f32 s15, $0.0e+00;
	s18 =	sadd.f32 s31, s23  }
0x138: {  	s19 =	spop (v2sf);
	s0 =	sadd.f32 s15, s0  }
0x139: {  	v57 =	vsub.f32 v10, v12;
	s23 =	sadd.f32 s19, s17;
	s22 =	smax.f32 s18, $0.0e+00  }
0x13a: {  	v58 =	vsub.f32 v9, v20;
	s31 =	spop (v2sf);
	s0 =	sadd.f32 s22, s0  }
0x13b: {  	v59 =	vsub.f32 v8, v60;
	v2 =	vmin.f32 v2, v57;
	s18 =	sadd.f32 s31, s16  }
0x13c: {  	v60 =	vsub.f32 v7, v21;
	v2 =	vmin.f32 v2, v58;
	s15 =	smax.f32 s23, $0.0e+00;
	s19 =	spop (v2sf)  }
0x13d: {  	s28 =	sadd.s32 $0x1, s28;
	v61 =	vsub.f32 v6, v15;
	v2 =	vmin.f32 v2, v59;
	s0 =	sadd.f32 s15, s0;
	s22 =	smax.f32 s18, $0.0e+00  }
0x13e: {  	p0 =	sne.s32 s28, $0x10;
	v62 =	vsub.f32 v5, v13;
	v2 =	vmin.f32 v2, v60;
	s23 =	sadd.f32 s19, s20;
	s31 =	spop (v2sf)  }
.Ltmp3:
0x13f: {  	v63 =	vsub.f32 v4, v11;
	v2 =	vmin.f32 v2, v61;
	s0 =	sadd.f32 s22, s0;
	(pc) =	sbr.rel @p0 .LBB2_4-.Ltmp3, $4  }
0x140: {  	v3 =	vsub.f32 v3, v16;
	v2 =	vmin.f32 v2, v62;
	s2 =	sadd.f32 s31, s21;
	s15 =	smax.f32 s23, $0.0e+00  }
0x141: {  	v2 =	vmin.f32 v2, v63;
	s0 =	sadd.f32 s15, s0  }
0x142: {  	v2 =	vmin.f32 v2, v3;
	s2 =	smax.f32 s2, $0.0e+00  }
0x143: {  	[tilespmem:s30+$0x0] =	vst v2;
	s29 =	sadd.f32 s2, s0  }
0x144: {  	_ = 	snop  }
0x145: {  	v2 =	vmov s29  }
0x146: {  	v2 =	vnsel vm0, $0x0, v2  }
0x147: {  	s0 =	simm.s32 $0x16000;
	[tilespmem:$0x16000] =	vst v2  }
0x148: {  	[hbm4b:s11+s1] =	stream.linear.scatter [tilespmem:s0], [sflag:$0x1], $0x80, $0x38;
	[tilespmem:$0x16080] =	vst v63  }
0x149: {  	s26 =	sadd.s32 $0x1, s26;
	_ =	swait.ge [sflag:s14], $0x80  }
0x14a: {  	p0 =	sne.s32 s26, s13;
	[sflag:s14] =	ssyncset.done $0x0  }
.Ltmp4:
0x14b: {  	s31 =	simm.s32 $0x80;
	[sflag:s14] =	ssyncadd.s32 $0xFFFFFF80;
	(pc) =	sbr.rel @p0 .LBB2_1-.Ltmp4, $4  }
0x14c: {  	[hbm4b:s12+s31] =	stream.strided.scatter [tilespmem:s25], [sflag:$0x1], $0x2000, s24, s31, $0x38;
	[tilespmem:$0x16080] =	vst v63  }
0x14d: {  	_ =	swait.ge [sflag:s14], $0x2000  }
0x14e: {  	[sflag:s14] =	ssyncset.done $0x0  }
0x14f: {  	[sflag:s14] =	ssyncadd.s32 $0xFFFFE000  }
0x150: {  	_ =	sfence.sel $0x180000  }
0x151: {  	[bflag:$0x0] =	sbarrier.arrive $0xFFFF  }
0x152: {  	_ =	strace $0x90000047  }
0x153: {  	s0 =	stileid.u32;
	[bflag:$0x2] =	sbarrier.arrive $0xFFFF  }
0x154: {  	p0 =	sne.s32 s0, $0x0;
	s0 =	rddreg [dreg:$0x1]  }
0x155: {  	s0 =	sadd.s32 @!p0 $0x100000, s0  }
0x156: {  	[sflag:s0] =	ssyncadd.tile.s32 @!p0 $0x1;
	_ =	shalt  }
.Lfunc_end2:
_tile_overlayer_lowered:
.L_overlay_start_2:
0x157: {  	(tag) =	ssettag $0x2  }
0x158: {  	s0 =	rddreg [dreg:$0x0];
	s2 =	stileid.u32  }
0x159: {  	s1 =	rddreg [dreg:$0x1];
	p0 =	sne.s32 s2, $0x0  }
0x15a: {  	s3 =	rddreg [dreg:$0x2];
	[bflag:$0x3] =	sbarrier.arrive $0xFFFF;
	s2 =	simm.s32 @!p0 $0x1C01  }
0x15b: {  	[timem:s3], [sflag:s2] =	dma.local @!p0 [hbm:s0], s1  }
0x15c: {  	s0 =	simm.s32 @!p0 $0x1  }
0x15d: {  	_ =	swait.ge @!p0 [sflag:s0], s1  }
0x15e: {  	s1 =	ssub.s32 @!p0 $0x0, s1;
	[sflag:s0] =	ssyncset.done @!p0 $0x0  }
0x15f: {  	[sflag:s0] =	ssyncadd.s32 @!p0 s1  }
0x160: {  	[bflag:$0x3] =	sbarrier.arrive $0xFFFF  }
0x161: {  	_ =	shalt  }

// kernel: kernel.7.cloned.1.call-start
scs
__scs_entry_jumppad:
0x0: {  	(pc) =	sbr.rel $0x88, $3  }
0x1: {  	(tag) =	ssettag $0x0;
	lr =	simm.s32 $0x1  }
0x2: {  	[smem:$0x3F9F] =	sst lr;
	_ =	strace $0xD0000000  }
0x3: {  	_ = 	snop  }
0x4: {  	_ = 	snop  }
0x5: {  	_ = 	snop  }
0x6: {  	_ = 	snop  }
0x7: {  	_ = 	snop  }
__scs_overlays_trampoline_lowered:
0x8: {  	[smem:$0x3FAE] =	sst s0  }
0x9: {  	[smem:$0x3FAF] =	sst s1  }
0xa: {  	[smem:$0x3FB0] =	sst s2  }
0xb: {  	[smem:$0x3FB1] =	sst s3  }
0xc: {  	[smem:$0x3FB2] =	sst s4  }
0xd: {  	[smem:$0x3FB3] =	sst s5  }
0xe: {  	[smem:$0x3FB4] =	sst s6  }
0xf: {  	[smem:$0x3FB5] =	sst s7  }
0x10: {  	[smem:$0x3FB6] =	sst s8  }
0x11: {  	[smem:$0x3FB7] =	sst s9;
	s0 =	simm.s32 @!p0 $0x0  }
0x12: {  	s1 =	sld [smem:$0x3F9D];
	s0 =	simm.s32 @p0 $0x1  }
0x13: {  	[smem:$0x3FB8] =	sst s0;
	s0 =	simm.s32 @!p1 $0x0  }
0x14: {  	s2 =	sld [smem:$0x3F9C];
	s0 =	simm.s32 @p1 $0x1  }
0x15: {  	[smem:$0x3FB9] =	sst s0;
	s0 =	simm.s32 @!p2 $0x0  }
0x16: {  	s3 =	sld [smem:$0x3FDB];
	s0 =	simm.s32 @p2 $0x1  }
0x17: {  	s4 =	simm.s32 $0x1BF5;
	[smem:$0x3FBB] =	sst s0  }
0x18: {  	s0 =	sld [smem:$0x3F9E];
	_ =	swait.ge [sflag:s4], $0x0  }
0x19: {  	s7 =	sld [smem:$0x3F9F]  }
0x1a: {  	s8 =	sadd.s32 $0xFFFFE003, lr  }
0x1b: {  	s9 =	sadd.s32 $0xFFFFFEF7, lr;
	s5 =	simm.s32 $0xFFFFFFFF;
	p2 =	slt.u32 s8, $0xFFFFF086  }
0x1c: {  	p1 =	slt.u32 s9, $0xF7A;
	s5 =	simm.s32 @!p2 $0x0  }
0x1d: {  	s5 =	simm.s32 @p1 $0x1;
	p0 =	seq.s32 s7, s2  }
0x1e: {  	s7 =	smul.u32 @!p0 $0xF7A, s2;
	p2 =	seq.s32 @!p0 s5, $0x0  }
0x1f: {  	s9 =	smul.u32 $0xF7A, s1;
	s8 =	simm.s32 @!p0 $0x1BF5;
	p2 =	por !p2, p0  }
0x20: {  	[sflag:s8] =	ssyncset.s32 @!p0 $0xFFFFF086;
	s6 =	sadd.s32 @!p0 s3, s7;
	s7 =	simm.s32 @!p0 $0x108  }
0x21: {  	s3 =	sadd.s32 s3, s9;
	s6 =	sadd.s32 @!p0 $0x88, s6;
	s7 =	simm.s32 @p2 $0x1082  }
0x22: {  	[simem:s7], [sflag:s8] =	dma.local @!p0 [hbm:s6], $0xF7A  }
0x23: {  	s9 =	sor.u32 $0xD0000000, s2;
	s6 =	simm.s32 $0x108;
	_ =	swait.ge @!p0 [sflag:s8], $0x0  }
0x24: {  	s3 =	sadd.s32 $0x88, s3;
	s6 =	simm.s32 @!p1 $0x1082;
	[sflag:s4] =	ssyncset.s32 $0xFFFFF086  }
0x25: {  	[simem:s6], [sflag:s4] =	dma.local [hbm:s3], $0xF7A  }
0x26: {  	[smem:$0x3F9F] =	sst s1;
	(tag) =	ssettag s2;
	_ =	strace s9  }
0x27: {  	s1 =	sld [smem:$0x3FAF]  }
0x28: {  	s2 =	sld [smem:$0x3FB0]  }
0x29: {  	s4 =	sld [smem:$0x3FB2]  }
0x2a: {  	p0 =	seq.s32 s5, $0x0;
	s5 =	sld [smem:$0x3FB3]  }
0x2b: {  	s6 =	sld [smem:$0x3FB4]  }
0x2c: {  	s7 =	sld [smem:$0x3FB5]  }
0x2d: {  	s3 =	simm.s32 $0x108;
	s8 =	sld [smem:$0x3FB6]  }
0x2e: {  	s3 =	simm.s32 @!p0 $0x1082;
	s9 =	sld [smem:$0x3FB7]  }
0x2f: {  	lr =	sadd.s32 s0, s3;
	s0 =	sld [smem:$0x3FAE]  }
0x30: {  	s3 =	sld [smem:$0x3FB1]  }
0x31: {  	[smem:$0x3FBA] =	sst s10  }
0x32: {  	s10 =	sld [smem:$0x3FB8];
	_ =	sdelay $0x3  }
0x33: {  	p0 =	seq.s32 s10, $0x1;
	s10 =	sld [smem:$0x3FBA];
	_ =	sdelay $0x3  }
0x34: {  	[smem:$0x3FBA] =	sst s10  }
0x35: {  	s10 =	sld [smem:$0x3FB9];
	_ =	sdelay $0x3  }
0x36: {  	p1 =	seq.s32 s10, $0x1;
	s10 =	sld [smem:$0x3FBA];
	_ =	sdelay $0x3  }
0x37: {  	[smem:$0x3FBA] =	sst s10  }
0x38: {  	s10 =	sld [smem:$0x3FBB]  }
0x39: {  	_ = 	snop;
	(pc) =	sbr.ind lr, $3  }
0x3a: {  	_ = 	snop  }
0x3b: {  	_ = 	snop  }
0x3c: {  	p2 =	seq.s32 s10, $0x1;
	s10 =	sld [smem:$0x3FBA]  }
0x3d: {  	_ =	shalt  }
0x3e: {  	_ =	shalt  }
0x3f: {  	_ =	shalt  }
0x40: {  	_ =	shalt  }
0x41: {  	_ =	shalt  }
0x42: {  	_ =	shalt  }
0x43: {  	_ =	shalt  }
0x44: {  	_ =	shalt  }
0x45: {  	_ =	shalt  }
0x46: {  	_ =	shalt  }
0x47: {  	_ =	shalt  }
0x48: {  	_ =	shalt  }
0x49: {  	_ =	shalt  }
0x4a: {  	_ =	shalt  }
0x4b: {  	_ =	shalt  }
0x4c: {  	_ =	shalt  }
0x4d: {  	_ =	shalt  }
0x4e: {  	_ =	shalt  }
0x4f: {  	_ =	shalt  }
0x50: {  	_ =	shalt  }
0x51: {  	_ =	shalt  }
0x52: {  	_ =	shalt  }
0x53: {  	_ =	shalt  }
0x54: {  	_ =	shalt  }
0x55: {  	_ =	shalt  }
0x56: {  	_ =	shalt  }
0x57: {  	_ =	shalt  }
0x58: {  	_ =	shalt  }
0x59: {  	_ =	shalt  }
0x5a: {  	_ =	shalt  }
0x5b: {  	_ =	shalt  }
0x5c: {  	_ =	shalt  }
0x5d: {  	_ =	shalt  }
0x5e: {  	_ =	shalt  }
0x5f: {  	_ =	shalt  }
0x60: {  	_ =	shalt  }
0x61: {  	_ =	shalt  }
0x62: {  	_ =	shalt  }
0x63: {  	_ =	shalt  }
0x64: {  	_ =	shalt  }
0x65: {  	_ =	shalt  }
0x66: {  	_ =	shalt  }
0x67: {  	_ =	shalt  }
0x68: {  	_ =	shalt  }
0x69: {  	_ =	shalt  }
0x6a: {  	_ =	shalt  }
0x6b: {  	_ =	shalt  }
0x6c: {  	_ =	shalt  }
0x6d: {  	_ =	shalt  }
0x6e: {  	_ =	shalt  }
0x6f: {  	_ =	shalt  }
0x70: {  	_ =	shalt  }
0x71: {  	_ =	shalt  }
0x72: {  	_ =	shalt  }
0x73: {  	_ =	shalt  }
0x74: {  	_ =	shalt  }
0x75: {  	_ =	shalt  }
0x76: {  	_ =	shalt  }
0x77: {  	_ =	shalt  }
0x78: {  	_ =	shalt  }
0x79: {  	_ =	shalt  }
0x7a: {  	_ =	shalt  }
0x7b: {  	_ =	shalt  }
0x7c: {  	_ =	shalt  }
0x7d: {  	_ =	shalt  }
0x7e: {  	_ =	shalt  }
0x7f: {  	_ =	shalt  }
0x80: {  	_ =	shalt  }
0x81: {  	_ =	shalt  }
0x82: {  	_ =	shalt  }
0x83: {  	_ =	shalt  }
0x84: {  	_ =	shalt  }
0x85: {  	_ =	shalt  }
0x86: {  	_ =	shalt  }
0x87: {  	_ =	shalt  }
.Lfunc_end0:
.L_simem_size_0:
called_computation.1_lowered:
.L_overlay_start_0:
0x88: {  	s2 =	sld [smem:$0x3FD9]  }
0x89: {  	s3 =	sld [smem:$0x3FFE];
	_ =	sdelay $0x1  }
0x8a: {  	s1 =	srdreg.scid  }
0x8b: {  	s0 =	sand.u32 $0x1, s1  }
0x8c: {  	s16 =	sshll.u32 s0, $0xA;
	s2 =	sadd.s32 s3, s2  }
0x8d: {  	s2 =	sadd.s32 s2, s16  }
0x8e: {  	[smem:$0x3FC6] =	sst s2  }
0x8f: {  	_ = 	snop  }
0x90: {  	(tm) =	ssettm $0x1  }
0x91: {  	s17 =	sld [smem:$0x3FFB];
	_ =	sdelay $0x3  }
0x92: {  	_ =	strace s17  }
0x93: {  	s2 =	sld [smem:$0x3FFC];
	_ =	sdelay $0x3  }
0x94: {  	_ =	strace s2  }
0x95: {  	s2 =	sld [smem:$0x3FFD];
	_ =	sdelay $0x3  }
0x96: {  	_ =	strace s2  }
0x97: {  	_ =	strace $0x8FFFFFFF  }
0x98: {  	s18 =	sld [smem:$0x3FDB];
	_ =	sdelay $0x1  }
0x99: {  	s19 =	simm.s32 $_scs_section_size  }
0x9a: {  	s4 =	simm.s32 $_size__tile_overlayer_lowered;
	s5 =	simm.s32 $_tile_overlayer_lowered  }
0x9b: {  	s22 =	simm.s32 $0x1BFF;
	s21 =	sshll.u32 s5, $0x1;
	s2 =	sadd.s32 s19, s18  }
0x9c: {  	s6 =	simm.s32 $0x0;
	s20 =	sshll.u32 s4, $0x1;
	s4 =	sadd.s32 s21, s2  }
0x9d: {  	[timem:s6], [sflag:s22] =	dma.local [hbm:s4], s20  }
0x9e: {  	_ =	swait.ge [sflag:s22], s20  }
0x9f: {  	s3 =	ssub.s32 $0x0, s20;
	[sflag:s22] =	ssyncset.done $0x0  }
0xa0: {  	[sflag:s22] =	ssyncadd.s32 s3;
	_ =	sdelay $0x1  }
0xa1: {  	s23 =	simm.s32 $0x1B8B  }
0xa2: {  	_ =	swait.ge [sflag:s23], $0x1  }
0xa3: {  	[sflag:s23] =	ssyncset.done $0x0  }
0xa4: {  	s25 =	simm.s32 $0x1B8E;
	s24 =	sld [smem:$0x3FFE];
	[sflag:s23] =	ssyncadd.s32 $0xFFFFFFFF  }
0xa5: {  	s26 =	simm.s32 $execute0_lowered;
	[smem:$0x3FD2] =	sst s25  }
0xa6: {  	s4 =	sshll.u32 s26, $0x1;
	_ =	strace $0x80000049;
	[dreg:$0x1] =	wrdreg $0xFFFFFFFF  }
0xa7: {  	s28 =	simm.s32 $_size_execute0_lowered;
	s2 =	sadd.s32 s2, s4;
	[dreg:$0x0] =	wrdreg $0x0  }
0xa8: {  	s4 =	sshll.u32 s28, $0x1;
	[dreg:$0x2] =	wrdreg s2  }
0xa9: {  	[dreg:$0x3] =	wrdreg s4  }
0xaa: {  	[dreg:$0x4] =	wrdreg $0xC0  }
0xab: {  	_ =	task [dreg:s6], $0x5FFFF  }
0xac: {  	[dreg:$0x1] =	wrdreg $0xFFFFFFFF  }
0xad: {  	[dreg:$0x0] =	wrdreg $0x60  }
0xae: {  	[dreg:$0x2] =	wrdreg s24  }
0xaf: {  	[dreg:$0x3] =	wrdreg $0x9  }
0xb0: {  	_ =	task.clear_ibuf [dreg:s6], $0x4FFFF;
	_ =	strace $0x90000049  }
0xb1: {  	s29 =	simm.s32 $0x9;
	_ =	strace $0x8000004B  }
0xb2: {  	_ =	swait.ge [sflag:s29], $0x1  }
0xb3: {  	[sflag:s29] =	ssyncadd.s32 $0xFFFFFFFF  }
0xb4: {  	_ =	strace $0x9000004B  }
0xb5: {  	_ =	sfence  }
0xb6: {  	s30 =	sld [smem:$0x0];
	_ =	sdelay $0x2  }
0xb7: {  	s31 =	sshll.u32 s1, $0xD;
	s1 =	sshrl.u32 s1, $0x2  }
0xb8: {  	s3 =	sand.u32 $0x4000, s31;
	s1 =	sadd.s32 s1, s30  }
0xb9: {  	s0 =	sor.u32 s3, s0;
	s1 =	sshll.u32 s1, $0x11  }
0xba: {  	s0 =	sor.u32 s1, s0  }
0xbb: {  	s0 =	sadd.s32 $0x8F2B, s0  }
0xbc: {  	[sflag:s0] =	ssyncadd.remote.s32 $0x1  }
0xbd: {  	_ =	sfence.sel $0xFFFF  }
0xbe: {  	[dreg:$0x0] =	wrdreg $0xFFFFFFFF;
	(pc) =	sbr.abs _section_cstart, $3  }
0xbf: {  	[dreg:$0x1] =	wrdreg $0xFFFFFFFF  }
0xc0: {  	_ =	task.clear_ibuf [dreg:s6], $0x2FFFF;
	_ =	strace $0x9FFFFFFF  }
0xc1: {  	(tm) =	ssettm $0x7FFFFFFF  }
tec
execute0_lowered:
.L_overlay_start_1:
0x0: {  	(tag) =	ssettag $0x1  }
0x1: {  	s3 =	rddreg [dreg:$0x0]  }
0x2: {  	s0 =	rddreg [dreg:$0x1]  }
0x3: {  	s4 =	srdreg.scid;
	s1 =	stileid.u32;
	s2 =	simm.s32 $0x0  }
0x4: {  	s10 =	simm.s32 $0x1;
	s11 =	simm.s32 $0x2200;
	s12 =	simm.s32 $0x0  }
0x5: {  	s4 =	sand.u32 $0x1, s4;
	s5 =	sshll.u32 s1, $0x1;
	[smem:$0x7FF] =	sst s2  }
0x6: {  	s5 =	sor.u32 s4, s5;
	_ =	strace $0x8000004A;
	s4 =	ssub.s32 $0x2, s4  }
0x7: {  	s6 =	sshll.u32 s5, $0x5;
	s7 =	sshll.u32 s5, $0x8;
	s5 =	sshll.u32 s5, $0x4  }
0x8: {  	s8 =	sshrl.u32 s4, $0x1;
	s6 =	sadd.s32 s6, s3;
	s7 =	sadd.s32 s7, s3  }
0x9: {  	s9 =	sadd.s32 s5, s3;
	s8 =	ssub.s32 s4, s8;
	s3 =	sadd.s32 $0x3800, s7  }
0xa: {  	s4 =	sadd.s32 $0x1E00, s6;
	s5 =	sadd.s32 $0x2200, s6;
	s6 =	sadd.s32 $0x1600, s9  }
0xb: {  	vm0 =	vmmov $0x1;
	s7 =	smax.u32 s8, $0x1;
	s8 =	simm.s32 $0x800;
	s9 =	simm.s32 $0x10000  }
.LBB2_1:
0xc: {  	[tilespmem:s2], [sflag:$0x1] =	stream.strided.gather [hbm4b:s3+s8], $0x2000, s9, s8, $0x38;
	[tilespmem:$0x2280] =	vst v63  }
0xd: {  	_ =	swait.ge [sflag:s10], $0x2000  }
0xe: {  	[sflag:s10] =	ssyncset.done $0x0  }
0xf: {  	s13 =	simm.s32 $0x2000;
	[sflag:s10] =	ssyncadd.s32 $0xFFFFE000  }
0x10: {  	[tilespmem:s13], [sflag:$0x1] =	stream.linear.gather [hbm4b:s4+s2], $0x100, $0x38;
	[tilespmem:$0x2280] =	vst v63  }
0x11: {  	_ =	swait.ge [sflag:s10], $0x100  }
0x12: {  	[sflag:s10] =	ssyncset.done $0x0  }
0x13: {  	s14 =	simm.s32 $0x2100;
	[sflag:s10] =	ssyncadd.s32 $0xFFFFFF00  }
0x14: {  	[tilespmem:s14], [sflag:$0x1] =	stream.linear.gather [hbm4b:s5+s2], $0x100, $0x38;
	[tilespmem:$0x2280] =	vst v63  }
0x15: {  	_ =	swait.ge [sflag:s10], $0x100  }
0x16: {  	[sflag:s10] =	ssyncset.done $0x0  }
0x17: {  	[sflag:s10] =	ssyncadd.s32 $0xFFFFFF00  }
0x18: {  	s15 =	sand.u32 $0x70, s2;
	s16 =	sand.u32 $0x400, s2;
	v6 =	vld [tilespmem:s14+$0x0]  }
0x19: {  	s30 =	sor.u32 s15, s16;
	v7 =	vld [tilespmem:s13+$0x0]  }
0x1a: {  	v0 =	vld [tilespmem:s30+$0x0]  }
0x1b: {  	v1 =	vld [tilespmem:s30+$0x80]  }
0x1c: {  	v2 =	vld [tilespmem:s30+$0x100]  }
0x1d: {  	v3 =	vld [tilespmem:s30+$0x180]  }
0x1e: {  	v4 =	vld [tilespmem:s30+$0x200]  }
0x1f: {  	v5 =	vld [tilespmem:s30+$0x280]  }
0x20: {  	v0 =	vmin.f32 v0, v1;
	v1 =	vld [tilespmem:s30+$0x300]  }
0x21: {  	v0 =	vmin.f32 v0, v2;
	v2 =	vld [tilespmem:s30+$0x380]  }
0x22: {  	v0 =	vmin.f32 v0, v3;
	v3 =	vld [tilespmem:s30+$0x800]  }
0x23: {  	v0 =	vmin.f32 v0, v4;
	v4 =	vld [tilespmem:s30+$0x880]  }
0x24: {  	v0 =	vmin.f32 v0, v5;
	v5 =	vld [tilespmem:s30+$0x900]  }
0x25: {  	v0 =	vmin.f32 v0, v1;
	v1 =	vld [tilespmem:s30+$0x980]  }
0x26: {  	v0 =	vmin.f32 v0, v2;
	v2 =	vld [tilespmem:s30+$0xA00]  }
0x27: {  	v0 =	vmin.f32 v0, v3;
	v3 =	vld [tilespmem:s30+$0xA80]  }
0x28: {  	v0 =	vmin.f32 v0, v4;
	v4 =	vld [tilespmem:s30+$0xB00]  }
0x29: {  	v0 =	vmin.f32 v0, v5;
	v5 =	vld [tilespmem:s30+$0xB80]  }
0x2a: {  	v0 =	vmin.f32 v0, v1;
	v1 =	vld [tilespmem:s30+$0x1000]  }
0x2b: {  	v0 =	vmin.f32 v0, v2;
	v2 =	vld [tilespmem:s30+$0x1080]  }
0x2c: {  	v0 =	vmin.f32 v0, v3;
	v3 =	vld [tilespmem:s30+$0x1100]  }
0x2d: {  	v0 =	vmin.f32 v0, v4;
	v4 =	vld [tilespmem:s30+$0x1180]  }
0x2e: {  	v0 =	vmin.f32 v0, v5;
	v5 =	vld [tilespmem:s30+$0x1200]  }
0x2f: {  	v0 =	vmin.f32 v0, v1;
	v1 =	vld [tilespmem:s30+$0x1280]  }
0x30: {  	v0 =	vmin.f32 v0, v2;
	v2 =	vld [tilespmem:s30+$0x1300]  }
0x31: {  	v0 =	vmin.f32 v0, v3;
	v3 =	vld [tilespmem:s30+$0x1380]  }
0x32: {  	v0 =	vmin.f32 v0, v4;
	v4 =	vld [tilespmem:s30+$0x1800]  }
0x33: {  	v0 =	vmin.f32 v0, v5;
	v5 =	vld [tilespmem:s30+$0x1880]  }
0x34: {  	v0 =	vmin.f32 v0, v1;
	v1 =	vld [tilespmem:s30+$0x1900]  }
0x35: {  	v8 =	vld [tilespmem:s30+$0x1980];
	v0 =	vmin.f32 v0, v2  }
0x36: {  	v9 =	vld [tilespmem:s30+$0x1A00];
	v0 =	vmin.f32 v0, v3  }
0x37: {  	v0 =	vmin.f32 v0, v4;
	v4 =	vld [tilespmem:s30+$0x1A80]  }
0x38: {  	v3 =	vld [tilespmem:s30+$0x1B00];
	v0 =	vmin.f32 v0, v5  }
0x39: {  	s31 =	simm.s32 $0x10;
	s15 =	simm.s32 $0x2110;
	s14 =	simm.s32 $0x80;
	v2 =	vld [tilespmem:s30+$0x1B80];
	v1 =	vmin.f32 v0, v1  }
0x3a: {  	s16 =	simm.s32 $0x2010;
	s13 =	sand.u32 $0x70, s31;
	s17 =	sand.u32 $0x400, s14;
	v6 =	vmul.f32 v6, v6;
	v5 =	vld [tilespmem:s15+$0x0];
	v8 =	vmin.f32 v1, v8  }
0x3b: {  	s13 =	sor.u32 s13, s17;
	s17 =	simm.s32 $0x20;
	v7 =	vmul.f32 v7, v7;
	v0 =	vimm.f32 $0.0e+00;
	v1 =	vld [tilespmem:s16+$0x0];
	v8 =	vmin.f32 v8, v9  }
.LBB2_2:
0x3c: {  	p0 =	sne.s32 s17, $0xF0;
	v9 =	vld [tilespmem:s13+$0x0];
	v4 =	vmin.f32 v8, v4  }
0x3d: {  	v8 =	vld [tilespmem:s13+$0x80];
	v3 =	vmin.f32 v4, v3;
	v4 =	vadd.f32 v7, v6  }
0x3e: {  	v6 =	vld [tilespmem:s13+$0x100];
	v2 =	vmin.f32 v3, v2  }
0x3f: {  	v3 =	vld [tilespmem:s13+$0x180];
	v2 =	vadd.f32 v4, v2;
	v7 =	vmov v5  }
0x40: {  	v4 =	vld [tilespmem:s13+$0x200]  }
0x41: {  	v5 =	vld [tilespmem:s13+$0x280];
	v2 =	vmax.f32 v2, $0.0e+00  }
0x42: {  	v8 =	vmin.f32 v9, v8;
	v9 =	vld [tilespmem:s13+$0x300];
	v0 =	vadd.f32 v2, v0  }
0x43: {  	v2 =	vmin.f32 v8, v6;
	v6 =	vld [tilespmem:s13+$0x380]  }
0x44: {  	v2 =	vmin.f32 v2, v3;
	v3 =	vld [tilespmem:s13+$0x800]  }
0x45: {  	v2 =	vmin.f32 v2, v4;
	v4 =	vld [tilespmem:s13+$0x880]  }
0x46: {  	v2 =	vmin.f32 v2, v5;
	v5 =	vld [tilespmem:s13+$0x900]  }
0x47: {  	v2 =	vmin.f32 v2, v9;
	v8 =	vld [tilespmem:s13+$0x980]  }
0x48: {  	v2 =	vmin.f32 v2, v6;
	v6 =	vld [tilespmem:s13+$0xA00]  }
0x49: {  	v2 =	vmin.f32 v2, v3;
	v3 =	vld [tilespmem:s13+$0xA80]  }
0x4a: {  	v2 =	vmin.f32 v2, v4;
	v4 =	vld [tilespmem:s13+$0xB00]  }
0x4b: {  	v2 =	vmin.f32 v2, v5;
	v5 =	vld [tilespmem:s13+$0xB80]  }
0x4c: {  	v2 =	vmin.f32 v2, v8;
	v8 =	vld [tilespmem:s13+$0x1000]  }
0x4d: {  	v2 =	vmin.f32 v2, v6;
	v6 =	vld [tilespmem:s13+$0x1080]  }
0x4e: {  	v2 =	vmin.f32 v2, v3;
	v3 =	vld [tilespmem:s13+$0x1100]  }
0x4f: {  	v2 =	vmin.f32 v2, v4;
	v4 =	vld [tilespmem:s13+$0x1180]  }
0x50: {  	v2 =	vmin.f32 v2, v5;
	v5 =	vld [tilespmem:s13+$0x1200]  }
0x51: {  	v2 =	vmin.f32 v2, v8;
	v8 =	vld [tilespmem:s13+$0x1280]  }
0x52: {  	v2 =	vmin.f32 v2, v6;
	v6 =	vld [tilespmem:s13+$0x1300]  }
0x53: {  	v2 =	vmin.f32 v2, v3;
	v3 =	vld [tilespmem:s13+$0x1380]  }
0x54: {  	v2 =	vmin.f32 v2, v4;
	v4 =	vld [tilespmem:s13+$0x1800]  }
0x55: {  	v2 =	vmin.f32 v2, v5;
	v5 =	vld [tilespmem:s13+$0x1880]  }
0x56: {  	v2 =	vmin.f32 v2, v8;
	v8 =	vld [tilespmem:s13+$0x1900]  }
0x57: {  	v2 =	vmin.f32 v2, v6;
	v6 =	vld [tilespmem:s13+$0x1980]  }
0x58: {  	v2 =	vmin.f32 v2, v3;
	v9 =	vld [tilespmem:s13+$0x1A00]  }
.Ltmp0:
0x59: {  	v2 =	vmin.f32 v2, v4;
	v4 =	vld [tilespmem:s13+$0x1A80];
	(pc) =	sbr.rel @p0 .LBB2_2-.Ltmp0, $4  }
0x5a: {  	v2 =	vmin.f32 v2, v5;
	v3 =	vld [tilespmem:s13+$0x1B00]  }
0x5b: {  	s14 =	sadd.s32 $0x80, s14;
	s15 =	sadd.s32 $0x10, s15;
	v8 =	vmin.f32 v2, v8;
	v2 =	vld [tilespmem:s13+$0x1B80]  }
0x5c: {  	s16 =	sadd.s32 $0x10, s16;
	s18 =	sand.u32 $0x400, s14;
	s13 =	sand.u32 $0x70, s17;
	v5 =	vld [tilespmem:s15+$0x0];
	v6 =	vmin.f32 v8, v6  }
0x5d: {  	s17 =	sadd.s32 $0x10, s17;
	s13 =	sor.u32 s13, s18;
	v8 =	vmin.f32 v6, v9;
	v6 =	vmul.f32 v7, v7;
	v7 =	vmul.f32 v1, v1;
	v1 =	vld [tilespmem:s16+$0x0]  }
0x5e: {  	v9 =	vld [tilespmem:s13+$0x0]  }
0x5f: {  	v10 =	vld [tilespmem:s13+$0x80]  }
0x60: {  	v11 =	vld [tilespmem:s13+$0x100]  }
0x61: {  	v12 =	vld [tilespmem:s13+$0x180]  }
0x62: {  	v13 =	vld [tilespmem:s13+$0x200]  }
0x63: {  	v14 =	vld [tilespmem:s13+$0x280]  }
0x64: {  	v34 =	vld [tilespmem:s13+$0x300];
	v9 =	vmin.f32 v9, v10  }
0x65: {  	v35 =	vld [tilespmem:s13+$0x380];
	v9 =	vmin.f32 v9, v11  }
0x66: {  	v36 =	vld [tilespmem:s13+$0x800];
	v9 =	vmin.f32 v9, v12  }
0x67: {  	v37 =	vld [tilespmem:s13+$0x880];
	v9 =	vmin.f32 v9, v13  }
0x68: {  	v38 =	vld [tilespmem:s13+$0x900];
	v9 =	vmin.f32 v9, v14  }
0x69: {  	v39 =	vld [tilespmem:s13+$0x980];
	v9 =	vmin.f32 v9, v34  }
0x6a: {  	v40 =	vld [tilespmem:s13+$0xA00];
	v9 =	vmin.f32 v9, v35  }
0x6b: {  	v41 =	vld [tilespmem:s13+$0xA80];
	v9 =	vmin.f32 v9, v36  }
0x6c: {  	v42 =	vld [tilespmem:s13+$0xB00];
	v9 =	vmin.f32 v9, v37  }
0x6d: {  	v43 =	vld [tilespmem:s13+$0xB80];
	v9 =	vmin.f32 v9, v38  }
0x6e: {  	v44 =	vld [tilespmem:s13+$0x1000];
	v9 =	vmin.f32 v9, v39  }
0x6f: {  	v45 =	vld [tilespmem:s13+$0x1080];
	v9 =	vmin.f32 v9, v40  }
0x70: {  	v46 =	vld [tilespmem:s13+$0x1100];
	v9 =	vmin.f32 v9, v41  }
0x71: {  	v47 =	vld [tilespmem:s13+$0x1180];
	v9 =	vmin.f32 v9, v42  }
0x72: {  	v48 =	vld [tilespmem:s13+$0x1200];
	v9 =	vmin.f32 v9, v43  }
0x73: {  	v49 =	vld [tilespmem:s13+$0x1280];
	v9 =	vmin.f32 v9, v44  }
0x74: {  	v50 =	vld [tilespmem:s13+$0x1300];
	v9 =	vmin.f32 v9, v45  }
0x75: {  	v51 =	vld [tilespmem:s13+$0x1380];
	v9 =	vmin.f32 v9, v46  }
0x76: {  	v52 =	vld [tilespmem:s13+$0x1800];
	v9 =	vmin.f32 v9, v47  }
0x77: {  	v53 =	vld [tilespmem:s13+$0x1880];
	v9 =	vmin.f32 v9, v48  }
0x78: {  	v54 =	vld [tilespmem:s13+$0x1900];
	v9 =	vmin.f32 v9, v49  }
0x79: {  	v55 =	vld [tilespmem:s13+$0x1980];
	v9 =	vmin.f32 v9, v50  }
0x7a: {  	v56 =	vld [tilespmem:s13+$0x1A00];
	v9 =	vmin.f32 v9, v51  }
0x7b: {  	v57 =	vld [tilespmem:s13+$0x1A80];
	v9 =	vmin.f32 v9, v52  }
0x7c: {  	v58 =	vld [tilespmem:s13+$0x1B00];
	v9 =	vmin.f32 v9, v53  }
0x7d: {  	v4 =	vmin.f32 v8, v4;
	v60 =	vld [tilespmem:s13+$0x1B80];
	v59 =	vmin.f32 v9, v54  }
0x7e: {  	v3 =	vmin.f32 v4, v3;
	v61 =	vadd.f32 v7, v6;
	v62 =	vmin.f32 v59, v55  }
0x7f: {  	v5 =	vmul.f32 v5, v5;
	v1 =	vmul.f32 v1, v1;
	v6 =	vmin.f32 v62, v56  }
0x80: {  	v2 =	vmin.f32 v3, v2;
	v63 =	vmin.f32 v6, v57  }
0x81: {  	v2 =	vadd.f32 v61, v2;
	v1 =	vadd.f32 v1, v5;
	v3 =	vmin.f32 v63, v58  }
0x82: {  	v3 =	vmin.f32 v3, v60  }
0x83: {  	v2 =	vmax.f32 v2, $0.0e+00;
	v1 =	vadd.f32 v1, v3  }
0x84: {  	v0 =	vadd.f32 v2, v0  }
0x85: {  	v1 =	vmax.f32 v1, $0.0e+00  }
0x86: {  	v0 =	vadd.f32 v1, v0;
	_ =	sdelay $0x1  }
0x87: {  	(xrf2) =	vadd.scan.msk.f32 $0xffff, v0;
	_ =	sdelay $0x9  }
0x88: {  	v0, _, _ =	vpop (xrf2)  }
0x89: {  	v0 =	vbroadcast v0, $0xF  }
0x8a: {  	s12 =	sadd.s32 $0x1, s12  }
0x8b: {  	p0 =	sne.s32 s12, s7;
	v0 =	vnsel vm0, $0x0, v0  }
.Ltmp1:
0x8c: {  	[tilespmem:$0x2200] =	vst v0;
	(pc) =	sbr.rel @p0 .LBB2_1-.Ltmp1, $4  }
0x8d: {  	[hbm4b:s6+s2] =	stream.linear.scatter [tilespmem:s11], [sflag:$0x1], $0x80, $0x38;
	[tilespmem:$0x2280] =	vst v63  }
0x8e: {  	_ =	swait.ge [sflag:s10], $0x80  }
0x8f: {  	[sflag:s10] =	ssyncset.done $0x0  }
0x90: {  	[sflag:s10] =	ssyncadd.s32 $0xFFFFFF80  }
0x91: {  	_ =	sfence.sel $0x180000  }
0x92: {  	[bflag:$0x0] =	sbarrier.arrive $0xFFFF  }
0x93: {  	p0 =	sne.s32 s1, $0x0;
	_ =	strace $0x9000004A  }
0x94: {  	s0 =	sadd.s32 @!p0 $0x100000, s0;
	[bflag:$0x2] =	sbarrier.arrive $0xFFFF  }
0x95: {  	[sflag:s0] =	ssyncadd.tile.s32 @!p0 $0x1;
	_ =	shalt  }
.Lfunc_end2:
_tile_overlayer_lowered:
.L_overlay_start_2:
0x96: {  	(tag) =	ssettag $0x2  }
0x97: {  	s0 =	rddreg [dreg:$0x0];
	s2 =	stileid.u32  }
0x98: {  	s1 =	rddreg [dreg:$0x1];
	p0 =	sne.s32 s2, $0x0  }
0x99: {  	s3 =	rddreg [dreg:$0x2];
	[bflag:$0x3] =	sbarrier.arrive $0xFFFF;
	s2 =	simm.s32 @!p0 $0x1C01  }
0x9a: {  	[timem:s3], [sflag:s2] =	dma.local @!p0 [hbm:s0], s1  }
0x9b: {  	s0 =	simm.s32 @!p0 $0x1  }
0x9c: {  	_ =	swait.ge @!p0 [sflag:s0], s1  }
0x9d: {  	s1 =	ssub.s32 @!p0 $0x0, s1;
	[sflag:s0] =	ssyncset.done @!p0 $0x0  }
0x9e: {  	[sflag:s0] =	ssyncadd.s32 @!p0 s1  }
0x9f: {  	[bflag:$0x3] =	sbarrier.arrive $0xFFFF  }
0xa0: {  	_ =	shalt  }

</sc_bundles>
